<compile_context>
chip_gen: v7x
topology: tpu7x:2x2x1
jax: 0.10.2.dev20260603
libtpu: 0.0.44.dev20260713+nightly
codegen_flags: <defaults>
</compile_context>

<pallas_src>
import functools

import jax
import jax.numpy as jnp
from jax import lax
from jax.experimental import pallas as pl
from jax.experimental.pallas import tpu as pltpu
from jax.experimental.pallas import tpu_sc as plsc

K_RATIO = 0.04
SIM_THRESHOLD = 0.6
KP = 176


def _score_body(x_ref, d_ref, *, num_select, hw):
    nr = hw // 128
    xb = x_ref[0]
    s = jnp.mean(jnp.abs(xb), axis=0)
    s_bits = lax.bitcast_convert_type(s, jnp.int32)

    def vstep(i, t):
        cand = t | (1 << (30 - i))
        c = jnp.sum((s_bits >= cand).astype(jnp.int32))
        return jnp.where(c >= num_select, cand, t)

    v = lax.fori_loop(0, 31, vstep, jnp.int32(0))
    c_gt = jnp.sum((s_bits > v).astype(jnp.int32))
    rem = num_select - c_gt
    eq = s_bits == v
    rnr128 = lax.broadcasted_iota(jnp.int32, (nr, 128), 0)
    cnr128 = lax.broadcasted_iota(jnp.int32, (nr, 128), 1)
    pix = rnr128 * 128 + cnr128

    def pstep(i, lohi):
        lo, hi = lohi
        mid = (lo + hi) // 2
        c = jnp.sum((eq & (pix <= mid)).astype(jnp.int32))
        return jnp.where(c >= rem, lo, mid + 1), jnp.where(c >= rem, mid, hi)

    _, pv = lax.fori_loop(0, 12, pstep, (jnp.int32(0), jnp.int32(hw - 1)))

    sel2d = ((s_bits > v) | (eq & (pix <= pv))).astype(jnp.float32)
    r128 = lax.broadcasted_iota(jnp.int32, (128, 128), 0)
    c128 = lax.broadcasted_iota(jnp.int32, (128, 128), 1)
    ut = (r128 <= c128).astype(jnp.float32)
    incl = jnp.dot(sel2d, ut, preferred_element_type=jnp.float32)
    rnr = lax.broadcasted_iota(jnp.int32, (nr, nr), 0)
    cnr = lax.broadcasted_iota(jnp.int32, (nr, nr), 1)
    lt = (cnr < rnr).astype(jnp.float32)
    p127 = (r128 == 127).astype(jnp.float32)
    tot = jnp.dot(incl, p127, preferred_element_type=jnp.float32)
    base = jnp.dot(lt, tot, preferred_element_type=jnp.float32)
    rank = incl - sel2d + base
    d_ref[0] = jnp.where(sel2d > 0.0, rank, 16384.0).astype(jnp.int32)


def _dense_body(f_ref, w_ref, b_ref, u_ref):
    F = f_ref[...]
    norm = jnp.sqrt(jnp.sum(F * F, axis=0, keepdims=True))
    nrm = F / (norm + 1e-12)
    sim = lax.dot_general(nrm, nrm, (((0,), (0,)), ((), ())),
                          preferred_element_type=jnp.float32)
    inv = (1.0 - sim) * 0.5
    thresh = (1.0 - SIM_THRESHOLD) / 2.0
    A = jnp.where(inv < thresh, inv, 0.0)
    hT = lax.dot_general(w_ref[...], F, (((0,), (0,)), ((), ())),
                         preferred_element_type=jnp.float32) + b_ref[...]
    u_ref[...] = jnp.maximum(
        lax.dot_general(hT, A, (((1,), (0,)), ((), ())),
                        preferred_element_type=jnp.float32), 0.0)


def _wid_map():
    cid = lax.axis_index("c")
    sid = lax.axis_index("s")
    wid = sid * 2 + cid
    return wid // 4, (wid % 4) * 48


def _al(off):
    return pl.multiple_of(off, 8)


def _compact_indices(drow, idxb, lane, HW):

    def zstep(j, _):
        idxb[pl.ds(j * 16, 16)] = jnp.zeros((16,), jnp.int32)
        return 0

    lax.fori_loop(0, 12, zstep, 0)

    def cstep(j, _):
        d = drow[pl.ds(j * 16, 16)]
        pix = lane + j * 16
        plsc.store_scatter(idxb, [d], pix, mask=d < jnp.int32(16384))
        return 0

    lax.fori_loop(0, HW // 16, cstep, 0)


def _gather_body(dest_hbm, xf_hbm, f_hbm, idx_hbm,
                 drow, idxb, elist, fbuf, gsem, wsem, *, C, HW, num_select):
    b, c0 = _wid_map()
    lane = lax.iota(jnp.int32, 16)
    pltpu.sync_copy(dest_hbm.at[pl.ds(_al(b * HW), HW)], drow)
    _compact_indices(drow, idxb, lane, HW)

    @pl.when(c0 == 0)
    def _():
        pltpu.sync_copy(idxb.at[pl.ds(0, KP)],
                        idx_hbm.at[pl.ds(_al(b * KP), KP)])

    def build(c, _):
        base = (b * C + c0 + c) * HW

        def jstep(j, _):
            idxv = idxb[pl.ds(j * 16, 16)]
            elist[pl.ds(c * KP + j * 16, 16)] = idxv + base
            return 0

        lax.fori_loop(0, KP // 16, jstep, 0)
        return 0

    lax.fori_loop(0, 48, build, 0)

    ng = 48 * KP // 128

    def fire(g, _):
        pltpu.make_async_copy(xf_hbm.at[elist.at[pl.ds(g * 128, 128)]],
                              fbuf.at[pl.ds(g * 128, 128)], gsem).start()
        return 0

    lax.fori_loop(0, ng, fire, 0)

    def drain(g, _):
        pltpu.make_async_copy(xf_hbm.at[elist.at[pl.ds(g * 128, 128)]],
                              fbuf.at[pl.ds(g * 128, 128)], gsem).wait()
        return 0

    lax.fori_loop(0, ng, drain, 0)

    def wstep(c, _):
        pos = lane + 160
        v = fbuf[pl.ds(c * KP + 160, 16)]
        fbuf[pl.ds(c * KP + 160, 16)] = jnp.where(pos < num_select, v, 0.0)
        pltpu.make_async_copy(
            fbuf.at[pl.ds(c * KP, KP)],
            f_hbm.at[pl.ds(_al((c0 + c) * (8 * KP) + b * KP), KP)],
            wsem).start()
        return 0

    lax.fori_loop(0, 48, wstep, 0)

    def wdrain(c, _):
        pltpu.make_async_copy(
            fbuf.at[pl.ds(c * KP, KP)],
            f_hbm.at[pl.ds(_al((c0 + c) * (8 * KP) + b * KP), KP)],
            wsem).wait()
        return 0

    lax.fori_loop(0, 48, wdrain, 0)


def _scatter_body(xf_hbm, idx_hbm, u_hbm, out_hbm,
                  idxb, ub, rowb, rsem, wsem, *, C, HW, num_select):
    b, c0 = _wid_map()
    lane = lax.iota(jnp.int32, 16)
    pltpu.sync_copy(idx_hbm.at[pl.ds(_al(b * KP), KP)], idxb)
    pltpu.sync_copy(u_hbm.at[pl.ds(_al((b * C + c0) * KP), 48 * KP)], ub)

    def rd(c, k):
        return pltpu.make_async_copy(
            xf_hbm.at[pl.ds(_al((b * C + c0 + c) * HW), HW)],
            rowb.at[pl.ds(k * HW, HW)], rsem.at[k])

    def wr(c, k):
        return pltpu.make_async_copy(
            rowb.at[pl.ds(k * HW, HW)],
            out_hbm.at[pl.ds(_al((b * C + c0 + c) * HW), HW)],
            wsem.at[k])

    rd(0, 0).start()
    rd(1, 1).start()

    def rowstep(c, _):
        k = c % 3
        rd(c, k).wait()

        def jstep(j, _):
            pos = lane + j * 16
            idxv = idxb[pl.ds(j * 16, 16)]
            vals = ub[pl.ds(c * KP + j * 16, 16)]
            plsc.store_scatter(rowb.at[pl.ds(k * HW, HW)], [idxv], vals,
                               mask=pos < num_select)
            return 0

        lax.fori_loop(0, KP // 16, jstep, 0)
        wr(c, k).start()

        @pl.when(c + 2 < 48)
        def _():
            kk = (c + 2) % 3

            @pl.when(c >= 1)
            def _():
                wr(c - 1, kk).wait()

            rd(c + 2, kk).start()

        return 0

    lax.fori_loop(0, 48, rowstep, 0)
    wr(45, 0).wait()
    wr(46, 1).wait()
    wr(47, 2).wait()


def kernel(x, W_gcn, b_gcn):
    B, C, H, W = x.shape
    HW = H * W
    num_select = int(HW * K_RATIO)
    xf2 = x.reshape(B * C, HW)

    nr = HW // 128
    x4 = x.reshape(B, C, nr, 128)
    dest3 = pl.pallas_call(
        functools.partial(_score_body, num_select=num_select, hw=HW),
        grid=(B,),
        in_specs=[pl.BlockSpec((1, C, nr, 128), lambda b: (b, 0, 0, 0))],
        out_specs=pl.BlockSpec((1, nr, 128), lambda b: (b, 0, 0)),
        out_shape=jax.ShapeDtypeStruct((B, nr, 128), jnp.int32),
    )(x4)

    mesh = plsc.VectorSubcoreMesh(core_axis_name="c", subcore_axis_name="s")
    F_flat, idxp = pl.kernel(
        functools.partial(_gather_body, C=C, HW=HW, num_select=num_select),
        out_type=[jax.ShapeDtypeStruct((C * B * KP,), jnp.float32),
                  jax.ShapeDtypeStruct((B * KP,), jnp.int32)],
        mesh=mesh,
        compiler_params=pltpu.CompilerParams(needs_layout_passes=False),
        scratch_types=[pltpu.VMEM((HW,), jnp.int32),
                       pltpu.VMEM((192,), jnp.int32),
                       pltpu.VMEM((48 * KP,), jnp.int32),
                       pltpu.VMEM((48 * KP,), jnp.float32),
                       pltpu.SemaphoreType.DMA,
                       pltpu.SemaphoreType.DMA],
    )(dest3.reshape(-1), xf2.reshape(-1))
    F_cm = F_flat.reshape(C, B * KP)

    U_cm = pl.pallas_call(
        _dense_body,
        out_shape=jax.ShapeDtypeStruct((C, B * KP), jnp.float32),
    )(F_cm, W_gcn, b_gcn.reshape(C, 1))
    U_t = U_cm.reshape(C, B, KP).transpose(1, 0, 2).reshape(B * C * KP)

    out2 = pl.kernel(
        functools.partial(_scatter_body, C=C, HW=HW, num_select=num_select),
        out_type=jax.ShapeDtypeStruct((B * C * HW,), jnp.float32),
        mesh=mesh,
        compiler_params=pltpu.CompilerParams(needs_layout_passes=False),
        scratch_types=[pltpu.VMEM((KP,), jnp.int32),
                       pltpu.VMEM((48 * KP,), jnp.float32),
                       pltpu.VMEM((3 * HW,), jnp.float32),
                       pltpu.SemaphoreType.DMA((3,)),
                       pltpu.SemaphoreType.DMA((3,))],
    )(xf2.reshape(-1), idxp, U_t)
    return out2.reshape(B, C, H, W)

# --- scband reference (transcript-rebuilt; emitter-appended) ---
"""Pipeline reference for scband-ana-c2f-pro-31928786878549 (READ-ONLY COPY).

The authoritative reference and input builder live on the scoring server;
editing this copy changes nothing except your own understanding.
"""

import jax, jax.numpy as jnp
import numpy as np

K_RATIO = 0.04
SIM_THRESHOLD = 0.6


def setup_inputs(seed: int = 0) -> dict:
    key = jax.random.key(seed)
    k1, k2 = jax.random.split(key, 2)
    x = jax.random.normal(k1, (8, 192, 64, 64), dtype=jnp.float32)
    # GraphUpdate (GCN-style) learned parameters: linear transform applied to
    # gathered top-k pixel features before weighted-adjacency aggregation.
    W_gcn = jax.random.normal(k2, (192, 192), dtype=jnp.float32) * (1.0 / np.sqrt(192.0))
    b_gcn = jnp.zeros((192,), dtype=jnp.float32)
    return {"x": x, "W_gcn": W_gcn, "b_gcn": b_gcn}


def reference(x, W_gcn, b_gcn):
    # Faithful translation of update_features_with_weight_by_gcn with a
    # single-layer GCN graph_update_module and inverse-similarity edge weights
    # (use_inverse=True, use_weights=True), as used inside AnaC2f_pro.
    B, C, H, W = x.shape
    HW = H * W
    # --- GraphScoreCompute: channel-mean absolute importance score ---
    score = jnp.mean(jnp.abs(x), axis=1)  # [B, H, W]
    num_select = int(HW * K_RATIO)  # 163
    flat_score = score.reshape(B, HW)
    _, top_idx = jax.lax.top_k(flat_score, num_select)  # [B, num_select]
    # --- gather top-k pixel features ---
    xf = x.reshape(B, C, HW)
    idx_exp = jnp.broadcast_to(top_idx[:, None, :], (B, C, num_select))
    top_feats = jnp.take_along_axis(xf, idx_exp, axis=2)  # [B, C, num_select]
    feats = jnp.transpose(top_feats, (0, 2, 1)).reshape(B * num_select, C)  # [N, C]
    # --- build_edge_index_from_features_with_inverse_weights ---
    nrm = feats / (jnp.linalg.norm(feats, axis=1, keepdims=True) + 1e-12)
    sim = nrm @ nrm.T  # [N, N]
    inv_sim = (1.0 - sim) / 2.0
    mask = inv_sim < (1.0 - SIM_THRESHOLD) / 2.0  # similarity_inv=False branch
    # weighted adjacency; dense A @ h is mathematically identical to
    # scatter-add of edge-weighted messages over edge_index = nonzero(mask)
    A = inv_sim * mask.astype(feats.dtype)
    # --- GraphUpdate (GCN layer): transform then aggregate, ReLU ---
    h = feats @ W_gcn + b_gcn
    updated = A @ h  # message passing with inverse-similarity edge weights
    updated = jax.nn.relu(updated)
    # --- scatter updated features back into the feature map (overwrite) ---
    updated = jnp.transpose(updated.reshape(B, num_select, C), (0, 2, 1))  # [B, C, ns]
    b_idx = jnp.arange(B)[:, None, None]
    c_idx = jnp.arange(C)[None, :, None]
    new_flat = xf.at[b_idx, c_idx, top_idx[:, None, :]].set(updated)
    return new_flat.reshape(B, C, H, W)

if __name__ == "__main__":
    import jax
    _d = setup_inputs()
    print(jax.jit(kernel)(*tuple(_d.values())))

</pallas_src>

<mosaic_0001>
#map = affine_map<(d0, d1) -> (0)>
module attributes {stable_mosaic.version = 14 : i64} {
  func.func @_scatter_body(%arg0: i32, %arg1: i32, %arg2: memref<6291456xf32, #tpu.memory_space<hbm>>, %arg3: memref<1408xi32, #tpu.memory_space<hbm>>, %arg4: memref<270336xf32, #tpu.memory_space<hbm>>, %arg5: memref<6291456xf32, #tpu.memory_space<hbm>>, %arg6: memref<176xi32, #tpu.memory_space<vmem>>, %arg7: memref<8448xf32, #tpu.memory_space<vmem>>, %arg8: memref<12288xf32, #tpu.memory_space<vmem>>, %arg9: memref<3x!tpu.dma_semaphore, #tpu.memory_space<semaphore_mem>>, %arg10: memref<3x!tpu.dma_semaphore, #tpu.memory_space<semaphore_mem>>) attributes {dimension_semantics = [#tpu.dimension_semantics<core_parallel>, #tpu.dimension_semantics<subcore_parallel>], iteration_bounds = array<i64: 2, 16>, scalar_prefetch = 0 : i64, scratch_operands = 5 : i64, tpu.core_type = #tpu.core_type<sc_vector_subcore>, window_params = [{transform_indices = #map}, {transform_indices = #map}, {transform_indices = #map}, {transform_indices = #map}]} {
    %mul3A = arith.constant 2 : i32
    %mul3A_0 = arith.muli %arg1, %mul3A : i32
    %add3A = arith.addi %mul3A_0, %arg0 : i32
    %jit3A = arith.constant 4 : i32
    %div3A = arith.divsi %add3A, %jit3A : i32
    %sign3A = arith.constant 0 : i32
    %sign3A_1 = arith.cmpi sgt, %add3A, %sign3A : i32
    %sign3A_2 = arith.extui %sign3A_1 : i1 to i32
    %sign3A_3 = arith.constant 0 : i32
    %sign3A_4 = arith.cmpi slt, %add3A, %sign3A_3 : i32
    %sign3A_5 = arith.extui %sign3A_4 : i1 to i32
    %sign3A_6 = arith.subi %sign3A_2, %sign3A_5 : i32
    %sign3A_7 = arith.constant 0 : i32
    %sign3A_8 = arith.cmpi sgt, %jit3A, %sign3A_7 : i32
    %sign3A_9 = arith.extui %sign3A_8 : i1 to i32
    %sign3A_10 = arith.constant 0 : i32
    %sign3A_11 = arith.cmpi slt, %jit3A, %sign3A_10 : i32
    %sign3A_12 = arith.extui %sign3A_11 : i1 to i32
    %sign3A_13 = arith.subi %sign3A_9, %sign3A_12 : i32
    %ne3A = arith.cmpi ne, %sign3A_6, %sign3A_13 : i32
    %rem3A = arith.remsi %add3A, %jit3A : i32
    %ne3A_14 = arith.constant 0 : i32
    %ne3A_15 = arith.cmpi ne, %rem3A, %ne3A_14 : i32
    %and3A = arith.andi %ne3A, %ne3A_15 : i1
    %sub3A = arith.constant 1 : i32
    %sub3A_16 = arith.subi %div3A, %sub3A : i32
    %select_n3A = arith.select %and3A, %sub3A_16, %div3A : i32
    %jit3A_17 = arith.constant 4 : i32
    %eq3A = arith.constant 0 : i32
    %eq3A_18 = arith.cmpi eq, %jit3A_17, %eq3A : i32
    %jit3A_19 = arith.constant 1 : i32
    %select_n3A_20 = arith.select %eq3A_18, %jit3A_19, %jit3A_17 : i32
    %rem3A_21 = arith.remsi %add3A, %select_n3A_20 : i32
    %ne3A_22 = arith.constant 0 : i32
    %ne3A_23 = arith.cmpi ne, %rem3A_21, %ne3A_22 : i32
    %lt3A = arith.constant 0 : i32
    %lt3A_24 = arith.cmpi slt, %rem3A_21, %lt3A : i32
    %lt3A_25 = arith.constant 0 : i32
    %lt3A_26 = arith.cmpi slt, %select_n3A_20, %lt3A_25 : i32
    %ne3A_27 = arith.xori %lt3A_24, %lt3A_26 : i1
    %and3A_28 = arith.andi %ne3A_27, %ne3A_23 : i1
    %add3A_29 = arith.addi %rem3A_21, %select_n3A_20 : i32
    %select_n3A_30 = arith.select %and3A_28, %add3A_29, %rem3A_21 : i32
    %mul3A_31 = arith.constant 48 : i32
    %mul3A_32 = arith.muli %select_n3A_30, %mul3A_31 : i32
    %iota3A = tpu.iota {dimensions = array<i32: 0>} : vector<16xi32>
    %mul3A_33 = arith.constant 176 : i32
    %mul3A_34 = arith.muli %select_n3A, %mul3A_33 : i32
    %multiple_of3A = tpu.assume_multiple %mul3A_34, 8 : i32
    "tpu.region"() ({
      %run_scoped3A = tpu.sem_alloc : memref<!tpu.dma_semaphore, #tpu.memory_space<semaphore_mem>>
      %dma_start3A_130 = tpu.memref_slice %arg3[%multiple_of3A] : memref<1408xi32, #tpu.memory_space<hbm>> -> memref<176xi32, #tpu.memory_space<hbm>>
      %dma_start3A_131 = tpu.memref_slice %arg3[%multiple_of3A] : memref<1408xi32, #tpu.memory_space<hbm>> -> memref<176xi32, #tpu.memory_space<hbm>>
      tpu.enqueue_dma source(%dma_start3A_131 : memref<176xi32, #tpu.memory_space<hbm>>) target(%arg6 : memref<176xi32, #tpu.memory_space<vmem>>) target_semaphore(%run_scoped3A : memref<!tpu.dma_semaphore, #tpu.memory_space<semaphore_mem>>)
      %dma_wait3A_132 = tpu.memref_slice %arg3[%multiple_of3A] : memref<1408xi32, #tpu.memory_space<hbm>> -> memref<176xi32, #tpu.memory_space<hbm>>
      %dma_wait3A_133 = tpu.memref_slice %arg3[%multiple_of3A] : memref<1408xi32, #tpu.memory_space<hbm>> -> memref<176xi32, #tpu.memory_space<hbm>>
      tpu.wait_dma2 semaphore(%run_scoped3A : memref<!tpu.dma_semaphore, #tpu.memory_space<semaphore_mem>>) src(%dma_wait3A_133 : memref<176xi32, #tpu.memory_space<hbm>>) dst(%arg6 : memref<176xi32, #tpu.memory_space<vmem>>)
      tpu.yield
    }) : () -> ()
    %mul3A_35 = arith.constant 192 : i32
    %mul3A_36 = arith.muli %select_n3A, %mul3A_35 : i32
    %add3A_37 = arith.addi %mul3A_36, %mul3A_32 : i32
    %mul3A_38 = arith.constant 176 : i32
    %mul3A_39 = arith.muli %add3A_37, %mul3A_38 : i32
    %multiple_of3A_40 = tpu.assume_multiple %mul3A_39, 8 : i32
    "tpu.region"() ({
      %run_scoped3A = tpu.sem_alloc : memref<!tpu.dma_semaphore, #tpu.memory_space<semaphore_mem>>
      %dma_start3A_130 = tpu.memref_slice %arg4[%multiple_of3A_40] : memref<270336xf32, #tpu.memory_space<hbm>> -> memref<8448xf32, #tpu.memory_space<hbm>>
      %dma_start3A_131 = tpu.memref_slice %arg4[%multiple_of3A_40] : memref<270336xf32, #tpu.memory_space<hbm>> -> memref<8448xf32, #tpu.memory_space<hbm>>
      tpu.enqueue_dma source(%dma_start3A_131 : memref<8448xf32, #tpu.memory_space<hbm>>) target(%arg7 : memref<8448xf32, #tpu.memory_space<vmem>>) target_semaphore(%run_scoped3A : memref<!tpu.dma_semaphore, #tpu.memory_space<semaphore_mem>>)
      %dma_wait3A_132 = tpu.memref_slice %arg4[%multiple_of3A_40] : memref<270336xf32, #tpu.memory_space<hbm>> -> memref<8448xf32, #tpu.memory_space<hbm>>
      %dma_wait3A_133 = tpu.memref_slice %arg4[%multiple_of3A_40] : memref<270336xf32, #tpu.memory_space<hbm>> -> memref<8448xf32, #tpu.memory_space<hbm>>
      tpu.wait_dma2 semaphore(%run_scoped3A : memref<!tpu.dma_semaphore, #tpu.memory_space<semaphore_mem>>) src(%dma_wait3A_133 : memref<8448xf32, #tpu.memory_space<hbm>>) dst(%arg7 : memref<8448xf32, #tpu.memory_space<vmem>>)
      tpu.yield
    }) : () -> ()
    %mul3A_41 = arith.constant 192 : i32
    %mul3A_42 = arith.muli %select_n3A, %mul3A_41 : i32
    %add3A_43 = arith.addi %mul3A_42, %mul3A_32 : i32
    %add3A_44 = arith.constant 0 : i32
    %add3A_45 = arith.addi %add3A_43, %add3A_44 : i32
    %mul3A_46 = arith.constant 4096 : i32
    %mul3A_47 = arith.muli %add3A_45, %mul3A_46 : i32
    %multiple_of3A_48 = tpu.assume_multiple %mul3A_47, 8 : i32
    %dma_start3A = arith.constant 0 : i32
    %dma_start3A_49 = arith.constant 0 : i32
    %dma_start3A_50 = tpu.memref_slice %arg8[%dma_start3A_49] : memref<12288xf32, #tpu.memory_space<vmem>> -> memref<4096xf32, #tpu.memory_space<vmem>>
    %dma_start3A_51 = tpu.memref_slice %arg2[%multiple_of3A_48] : memref<6291456xf32, #tpu.memory_space<hbm>> -> memref<4096xf32, #tpu.memory_space<hbm>>
    %dma_start3A_52 = tpu.memref_slice %arg9[%dma_start3A] : memref<3x!tpu.dma_semaphore, #tpu.memory_space<semaphore_mem>> -> memref<1x!tpu.dma_semaphore, #tpu.memory_space<semaphore_mem>>
    %dma_start3A_53 = tpu.memref_squeeze %dma_start3A_52 : memref<1x!tpu.dma_semaphore, #tpu.memory_space<semaphore_mem>> -> memref<!tpu.dma_semaphore, #tpu.memory_space<semaphore_mem>>
    %dma_start3A_54 = arith.constant 0 : i32
    %dma_start3A_55 = tpu.memref_slice %arg8[%dma_start3A_54] : memref<12288xf32, #tpu.memory_space<vmem>> -> memref<4096xf32, #tpu.memory_space<vmem>>
    %dma_start3A_56 = tpu.memref_slice %arg2[%multiple_of3A_48] : memref<6291456xf32, #tpu.memory_space<hbm>> -> memref<4096xf32, #tpu.memory_space<hbm>>
    tpu.enqueue_dma source(%dma_start3A_56 : memref<4096xf32, #tpu.memory_space<hbm>>) target(%dma_start3A_55 : memref<4096xf32, #tpu.memory_space<vmem>>) target_semaphore(%dma_start3A_53 : memref<!tpu.dma_semaphore, #tpu.memory_space<semaphore_mem>>)
    %mul3A_57 = arith.constant 192 : i32
    %mul3A_58 = arith.muli %select_n3A, %mul3A_57 : i32
    %add3A_59 = arith.addi %mul3A_58, %mul3A_32 : i32
    %add3A_60 = arith.constant 1 : i32
    %add3A_61 = arith.addi %add3A_59, %add3A_60 : i32
    %mul3A_62 = arith.constant 4096 : i32
    %mul3A_63 = arith.muli %add3A_61, %mul3A_62 : i32
    %multiple_of3A_64 = tpu.assume_multiple %mul3A_63, 8 : i32
    %dma_start3A_65 = arith.constant 1 : i32
    %dma_start3A_66 = arith.constant 4096 : i32
    %dma_start3A_67 = tpu.memref_slice %arg8[%dma_start3A_66] : memref<12288xf32, #tpu.memory_space<vmem>> -> memref<4096xf32, #tpu.memory_space<vmem>>
    %dma_start3A_68 = tpu.memref_slice %arg2[%multiple_of3A_64] : memref<6291456xf32, #tpu.memory_space<hbm>> -> memref<4096xf32, #tpu.memory_space<hbm>>
    %dma_start3A_69 = tpu.memref_slice %arg9[%dma_start3A_65] : memref<3x!tpu.dma_semaphore, #tpu.memory_space<semaphore_mem>> -> memref<1x!tpu.dma_semaphore, #tpu.memory_space<semaphore_mem>>
    %dma_start3A_70 = tpu.memref_squeeze %dma_start3A_69 : memref<1x!tpu.dma_semaphore, #tpu.memory_space<semaphore_mem>> -> memref<!tpu.dma_semaphore, #tpu.memory_space<semaphore_mem>>
    %dma_start3A_71 = arith.constant 4096 : i32
    %dma_start3A_72 = tpu.memref_slice %arg8[%dma_start3A_71] : memref<12288xf32, #tpu.memory_space<vmem>> -> memref<4096xf32, #tpu.memory_space<vmem>>
    %dma_start3A_73 = tpu.memref_slice %arg2[%multiple_of3A_64] : memref<6291456xf32, #tpu.memory_space<hbm>> -> memref<4096xf32, #tpu.memory_space<hbm>>
    tpu.enqueue_dma source(%dma_start3A_73 : memref<4096xf32, #tpu.memory_space<hbm>>) target(%dma_start3A_72 : memref<4096xf32, #tpu.memory_space<vmem>>) target_semaphore(%dma_start3A_70 : memref<!tpu.dma_semaphore, #tpu.memory_space<semaphore_mem>>)
    %scan3A = arith.constant 0 : i32
    %scan3A_74 = arith.constant 0 : i32
    %scan3A_75 = arith.constant 48 : i32
    %scan3A_76 = arith.addi %scan3A_74, %scan3A_75 : i32
    %scan3A_77 = arith.constant 1 : i32
    %scan3A_78 = scf.for %scan3A_130 = %scan3A_74 to %scan3A_76 step %scan3A_77 iter_args(%scan3A_131 = %scan3A) -> (i32)  : i32 {
      %jit3A_132 = arith.constant 3 : i32
      %eq3A_133 = arith.constant 0 : i32
      %eq3A_134 = arith.cmpi eq, %jit3A_132, %eq3A_133 : i32
      %jit3A_135 = arith.constant 1 : i32
      %select_n3A_136 = arith.select %eq3A_134, %jit3A_135, %jit3A_132 : i32
      %rem3A_137 = arith.remsi %scan3A_130, %select_n3A_136 : i32
      %ne3A_138 = arith.constant 0 : i32
      %ne3A_139 = arith.cmpi ne, %rem3A_137, %ne3A_138 : i32
      %lt3A_140 = arith.constant 0 : i32
      %lt3A_141 = arith.cmpi slt, %rem3A_137, %lt3A_140 : i32
      %lt3A_142 = arith.constant 0 : i32
      %lt3A_143 = arith.cmpi slt, %select_n3A_136, %lt3A_142 : i32
      %ne3A_144 = arith.xori %lt3A_141, %lt3A_143 : i1
      %and3A_145 = arith.andi %ne3A_144, %ne3A_139 : i1
      %add3A_146 = arith.addi %rem3A_137, %select_n3A_136 : i32
      %select_n3A_147 = arith.select %and3A_145, %add3A_146, %rem3A_137 : i32
      %mul3A_148 = arith.constant 192 : i32
      %mul3A_149 = arith.muli %select_n3A, %mul3A_148 : i32
      %add3A_150 = arith.addi %mul3A_149, %mul3A_32 : i32
      %add3A_151 = arith.addi %add3A_150, %scan3A_130 : i32
      %mul3A_152 = arith.constant 4096 : i32
      %mul3A_153 = arith.muli %add3A_151, %mul3A_152 : i32
      %multiple_of3A_154 = tpu.assume_multiple %mul3A_153, 8 : i32
      %mul3A_155 = arith.constant 4096 : i32
      %mul3A_156 = arith.muli %select_n3A_147, %mul3A_155 : i32
      %dma_wait3A_157 = tpu.memref_slice %arg8[%mul3A_156] : memref<12288xf32, #tpu.memory_space<vmem>> -> memref<4096xf32, #tpu.memory_space<vmem>>
      %dma_wait3A_158 = tpu.memref_slice %arg2[%multiple_of3A_154] : memref<6291456xf32, #tpu.memory_space<hbm>> -> memref<4096xf32, #tpu.memory_space<hbm>>
      %dma_wait3A_159 = tpu.memref_slice %arg9[%select_n3A_147] : memref<3x!tpu.dma_semaphore, #tpu.memory_space<semaphore_mem>> -> memref<1x!tpu.dma_semaphore, #tpu.memory_space<semaphore_mem>>
      %dma_wait3A_160 = tpu.memref_squeeze %dma_wait3A_159 : memref<1x!tpu.dma_semaphore, #tpu.memory_space<semaphore_mem>> -> memref<!tpu.dma_semaphore, #tpu.memory_space<semaphore_mem>>
      %dma_wait3A_161 = tpu.memref_slice %arg8[%mul3A_156] : memref<12288xf32, #tpu.memory_space<vmem>> -> memref<4096xf32, #tpu.memory_space<vmem>>
      %dma_wait3A_162 = tpu.memref_slice %arg2[%multiple_of3A_154] : memref<6291456xf32, #tpu.memory_space<hbm>> -> memref<4096xf32, #tpu.memory_space<hbm>>
      tpu.wait_dma2 semaphore(%dma_wait3A_160 : memref<!tpu.dma_semaphore, #tpu.memory_space<semaphore_mem>>) src(%dma_wait3A_162 : memref<4096xf32, #tpu.memory_space<hbm>>) dst(%dma_wait3A_161 : memref<4096xf32, #tpu.memory_space<vmem>>)
      %scan3A_163 = arith.constant 0 : i32
      %scan3A_164 = arith.constant 0 : i32
      %scan3A_165 = arith.constant 11 : i32
      %scan3A_166 = arith.addi %scan3A_164, %scan3A_165 : i32
      %scan3A_167 = arith.constant 1 : i32
      %scan3A_168 = scf.for %scan3A_191 = %scan3A_164 to %scan3A_166 step %scan3A_167 iter_args(%scan3A_192 = %scan3A_163) -> (i32)  : i32 {
        %mul3A_193 = arith.constant 16 : i32
        %mul3A_194 = arith.muli %scan3A_191, %mul3A_193 : i32
        %add3A_195 = vector.broadcast %mul3A_194 : i32 to vector<16xi32>
        %add3A_196 = arith.addi %iota3A, %add3A_195 : vector<16xi32>
        %mul3A_197 = arith.constant 16 : i32
        %mul3A_198 = arith.muli %scan3A_191, %mul3A_197 : i32
        %get3A = arith.index_cast %mul3A_198 : i32 to index
        %get3A_199 = tpu.vector_load %arg6[%get3A] {strides = array<i32>} : memref<176xi32, #tpu.memory_space<vmem>>, vector<16xi32>,
        %mul3A_200 = arith.constant 176 : i32
        %mul3A_201 = arith.muli %scan3A_130, %mul3A_200 : i32
        %mul3A_202 = arith.constant 16 : i32
        %mul3A_203 = arith.muli %scan3A_191, %mul3A_202 : i32
        %add3A_204 = arith.addi %mul3A_201, %mul3A_203 : i32
        %get3A_205 = arith.index_cast %add3A_204 : i32 to index
        %get3A_206 = tpu.vector_load %arg7[%get3A_205] {strides = array<i32>} : memref<8448xf32, #tpu.memory_space<vmem>>, vector<16xf32>,
        %mul3A_207 = arith.constant 4096 : i32
        %mul3A_208 = arith.muli %select_n3A_147, %mul3A_207 : i32
        %lt3A_209 = arith.constant 163 : i32
        %lt3A_210 = vector.broadcast %lt3A_209 : i32 to vector<16xi32>
        %lt3A_211 = arith.cmpi slt, %add3A_196, %lt3A_210 : vector<16xi32>
        %scatter3A = tpu.memref_slice %arg8[%mul3A_208] : memref<12288xf32, #tpu.memory_space<vmem>> -> memref<4096xf32, #tpu.memory_space<vmem>>
        tpu.vector_store_idx %scatter3A[%get3A_199], %get3A_206 masked %lt3A_211 : memref<4096xf32, #tpu.memory_space<vmem>>[vector<16xi32>], vector<16xf32>, vector<16xi1>
        %scan3A_212 = arith.constant 0 : i32
        scf.yield %scan3A_212 : i32
      }
      %scan3A_169 = arith.constant 11 : i32
      %mul3A_170 = arith.constant 4096 : i32
      %mul3A_171 = arith.muli %select_n3A_147, %mul3A_170 : i32
      %mul3A_172 = arith.constant 192 : i32
      %mul3A_173 = arith.muli %select_n3A, %mul3A_172 : i32
      %add3A_174 = arith.addi %mul3A_173, %mul3A_32 : i32
      %add3A_175 = arith.addi %add3A_174, %scan3A_130 : i32
      %mul3A_176 = arith.constant 4096 : i32
      %mul3A_177 = arith.muli %add3A_175, %mul3A_176 : i32
      %multiple_of3A_178 = tpu.assume_multiple %mul3A_177, 8 : i32
      %dma_start3A_179 = tpu.memref_slice %arg8[%mul3A_171] : memref<12288xf32, #tpu.memory_space<vmem>> -> memref<4096xf32, #tpu.memory_space<vmem>>
      %dma_start3A_180 = tpu.memref_slice %arg5[%multiple_of3A_178] : memref<6291456xf32, #tpu.memory_space<hbm>> -> memref<4096xf32, #tpu.memory_space<hbm>>
      %dma_start3A_181 = tpu.memref_slice %arg10[%select_n3A_147] : memref<3x!tpu.dma_semaphore, #tpu.memory_space<semaphore_mem>> -> memref<1x!tpu.dma_semaphore, #tpu.memory_space<semaphore_mem>>
      %dma_start3A_182 = tpu.memref_squeeze %dma_start3A_181 : memref<1x!tpu.dma_semaphore, #tpu.memory_space<semaphore_mem>> -> memref<!tpu.dma_semaphore, #tpu.memory_space<semaphore_mem>>
      %dma_start3A_183 = tpu.memref_slice %arg5[%multiple_of3A_178] : memref<6291456xf32, #tpu.memory_space<hbm>> -> memref<4096xf32, #tpu.memory_space<hbm>>
      %dma_start3A_184 = tpu.memref_slice %arg8[%mul3A_171] : memref<12288xf32, #tpu.memory_space<vmem>> -> memref<4096xf32, #tpu.memory_space<vmem>>
      tpu.enqueue_dma source(%dma_start3A_184 : memref<4096xf32, #tpu.memory_space<vmem>>) target(%dma_start3A_183 : memref<4096xf32, #tpu.memory_space<hbm>>) target_semaphore(%dma_start3A_182 : memref<!tpu.dma_semaphore, #tpu.memory_space<semaphore_mem>>)
      %add3A_185 = arith.constant 2 : i32
      %add3A_186 = arith.addi %scan3A_130, %add3A_185 : i32
      %lt3A_187 = arith.constant 48 : i32
      %lt3A_188 = arith.cmpi slt, %add3A_186, %lt3A_187 : i32
      %convert_element_type3A = arith.extui %lt3A_188 : i1 to i32
      %cond3A = arith.constant 0 : i32
      %cond3A_189 = arith.cmpi ne, %convert_element_type3A, %cond3A : i32
      scf.if %cond3A_189 {
        %add3A_191 = arith.constant 2 : i32
        %add3A_192 = arith.addi %scan3A_130, %add3A_191 : i32
        %jit3A_193 = arith.constant 3 : i32
        %eq3A_194 = arith.constant 0 : i32
        %eq3A_195 = arith.cmpi eq, %jit3A_193, %eq3A_194 : i32
        %jit3A_196 = arith.constant 1 : i32
        %select_n3A_197 = arith.select %eq3A_195, %jit3A_196, %jit3A_193 : i32
        %rem3A_198 = arith.remsi %add3A_192, %select_n3A_197 : i32
        %ne3A_199 = arith.constant 0 : i32
        %ne3A_200 = arith.cmpi ne, %rem3A_198, %ne3A_199 : i32
        %lt3A_201 = arith.constant 0 : i32
        %lt3A_202 = arith.cmpi slt, %rem3A_198, %lt3A_201 : i32
        %lt3A_203 = arith.constant 0 : i32
        %lt3A_204 = arith.cmpi slt, %select_n3A_197, %lt3A_203 : i32
        %ne3A_205 = arith.xori %lt3A_202, %lt3A_204 : i1
        %and3A_206 = arith.andi %ne3A_205, %ne3A_200 : i1
        %add3A_207 = arith.addi %rem3A_198, %select_n3A_197 : i32
        %select_n3A_208 = arith.select %and3A_206, %add3A_207, %rem3A_198 : i32
        %ge3A = arith.constant 1 : i32
        %ge3A_209 = arith.cmpi sge, %scan3A_130, %ge3A : i32
        %convert_element_type3A_210 = arith.extui %ge3A_209 : i1 to i32
        %cond3A_211 = arith.constant 0 : i32
        %cond3A_212 = arith.cmpi ne, %convert_element_type3A_210, %cond3A_211 : i32
        scf.if %cond3A_212 {
          %sub3A_230 = arith.constant 1 : i32
          %sub3A_231 = arith.subi %scan3A_130, %sub3A_230 : i32
          %mul3A_232 = arith.constant 4096 : i32
          %mul3A_233 = arith.muli %select_n3A_208, %mul3A_232 : i32
          %mul3A_234 = arith.constant 192 : i32
          %mul3A_235 = arith.muli %select_n3A, %mul3A_234 : i32
          %add3A_236 = arith.addi %mul3A_235, %mul3A_32 : i32
          %add3A_237 = arith.addi %add3A_236, %sub3A_231 : i32
          %mul3A_238 = arith.constant 4096 : i32
          %mul3A_239 = arith.muli %add3A_237, %mul3A_238 : i32
          %multiple_of3A_240 = tpu.assume_multiple %mul3A_239, 8 : i32
          %dma_wait3A_241 = tpu.memref_slice %arg8[%mul3A_233] : memref<12288xf32, #tpu.memory_space<vmem>> -> memref<4096xf32, #tpu.memory_space<vmem>>
          %dma_wait3A_242 = tpu.memref_slice %arg5[%multiple_of3A_240] : memref<6291456xf32, #tpu.memory_space<hbm>> -> memref<4096xf32, #tpu.memory_space<hbm>>
          %dma_wait3A_243 = tpu.memref_slice %arg10[%select_n3A_208] : memref<3x!tpu.dma_semaphore, #tpu.memory_space<semaphore_mem>> -> memref<1x!tpu.dma_semaphore, #tpu.memory_space<semaphore_mem>>
          %dma_wait3A_244 = tpu.memref_squeeze %dma_wait3A_243 : memref<1x!tpu.dma_semaphore, #tpu.memory_space<semaphore_mem>> -> memref<!tpu.dma_semaphore, #tpu.memory_space<semaphore_mem>>
          %dma_wait3A_245 = tpu.memref_slice %arg5[%multiple_of3A_240] : memref<6291456xf32, #tpu.memory_space<hbm>> -> memref<4096xf32, #tpu.memory_space<hbm>>
          %dma_wait3A_246 = tpu.memref_slice %arg8[%mul3A_233] : memref<12288xf32, #tpu.memory_space<vmem>> -> memref<4096xf32, #tpu.memory_space<vmem>>
          tpu.wait_dma2 semaphore(%dma_wait3A_244 : memref<!tpu.dma_semaphore, #tpu.memory_space<semaphore_mem>>) src(%dma_wait3A_246 : memref<4096xf32, #tpu.memory_space<vmem>>) dst(%dma_wait3A_245 : memref<4096xf32, #tpu.memory_space<hbm>>)
        } else {
        }
        %add3A_213 = arith.constant 2 : i32
        %add3A_214 = arith.addi %scan3A_130, %add3A_213 : i32
        %mul3A_215 = arith.constant 192 : i32
        %mul3A_216 = arith.muli %select_n3A, %mul3A_215 : i32
        %add3A_217 = arith.addi %mul3A_216, %mul3A_32 : i32
        %add3A_218 = arith.addi %add3A_217, %add3A_214 : i32
        %mul3A_219 = arith.constant 4096 : i32
        %mul3A_220 = arith.muli %add3A_218, %mul3A_219 : i32
        %multiple_of3A_221 = tpu.assume_multiple %mul3A_220, 8 : i32
        %mul3A_222 = arith.constant 4096 : i32
        %mul3A_223 = arith.muli %select_n3A_208, %mul3A_222 : i32
        %dma_start3A_224 = tpu.memref_slice %arg8[%mul3A_223] : memref<12288xf32, #tpu.memory_space<vmem>> -> memref<4096xf32, #tpu.memory_space<vmem>>
        %dma_start3A_225 = tpu.memref_slice %arg2[%multiple_of3A_221] : memref<6291456xf32, #tpu.memory_space<hbm>> -> memref<4096xf32, #tpu.memory_space<hbm>>
        %dma_start3A_226 = tpu.memref_slice %arg9[%select_n3A_208] : memref<3x!tpu.dma_semaphore, #tpu.memory_space<semaphore_mem>> -> memref<1x!tpu.dma_semaphore, #tpu.memory_space<semaphore_mem>>
        %dma_start3A_227 = tpu.memref_squeeze %dma_start3A_226 : memref<1x!tpu.dma_semaphore, #tpu.memory_space<semaphore_mem>> -> memref<!tpu.dma_semaphore, #tpu.memory_space<semaphore_mem>>
        %dma_start3A_228 = tpu.memref_slice %arg8[%mul3A_223] : memref<12288xf32, #tpu.memory_space<vmem>> -> memref<4096xf32, #tpu.memory_space<vmem>>
        %dma_start3A_229 = tpu.memref_slice %arg2[%multiple_of3A_221] : memref<6291456xf32, #tpu.memory_space<hbm>> -> memref<4096xf32, #tpu.memory_space<hbm>>
        tpu.enqueue_dma source(%dma_start3A_229 : memref<4096xf32, #tpu.memory_space<hbm>>) target(%dma_start3A_228 : memref<4096xf32, #tpu.memory_space<vmem>>) target_semaphore(%dma_start3A_227 : memref<!tpu.dma_semaphore, #tpu.memory_space<semaphore_mem>>)
      } else {
      }
      %scan3A_190 = arith.constant 0 : i32
      scf.yield %scan3A_190 : i32
    }
    %scan3A_79 = arith.constant 48 : i32
    %mul3A_80 = arith.constant 192 : i32
    %mul3A_81 = arith.muli %select_n3A, %mul3A_80 : i32
    %add3A_82 = arith.addi %mul3A_81, %mul3A_32 : i32
    %add3A_83 = arith.constant 45 : i32
    %add3A_84 = arith.addi %add3A_82, %add3A_83 : i32
    %mul3A_85 = arith.constant 4096 : i32
    %mul3A_86 = arith.muli %add3A_84, %mul3A_85 : i32
    %multiple_of3A_87 = tpu.assume_multiple %mul3A_86, 8 : i32
    %dma_wait3A = arith.constant 0 : i32
    %dma_wait3A_88 = arith.constant 0 : i32
    %dma_wait3A_89 = tpu.memref_slice %arg8[%dma_wait3A_88] : memref<12288xf32, #tpu.memory_space<vmem>> -> memref<4096xf32, #tpu.memory_space<vmem>>
    %dma_wait3A_90 = tpu.memref_slice %arg5[%multiple_of3A_87] : memref<6291456xf32, #tpu.memory_space<hbm>> -> memref<4096xf32, #tpu.memory_space<hbm>>
    %dma_wait3A_91 = tpu.memref_slice %arg10[%dma_wait3A] : memref<3x!tpu.dma_semaphore, #tpu.memory_space<semaphore_mem>> -> memref<1x!tpu.dma_semaphore, #tpu.memory_space<semaphore_mem>>
    %dma_wait3A_92 = tpu.memref_squeeze %dma_wait3A_91 : memref<1x!tpu.dma_semaphore, #tpu.memory_space<semaphore_mem>> -> memref<!tpu.dma_semaphore, #tpu.memory_space<semaphore_mem>>
    %dma_wait3A_93 = tpu.memref_slice %arg5[%multiple_of3A_87] : memref<6291456xf32, #tpu.memory_space<hbm>> -> memref<4096xf32, #tpu.memory_space<hbm>>
    %dma_wait3A_94 = arith.constant 0 : i32
    %dma_wait3A_95 = tpu.memref_slice %arg8[%dma_wait3A_94] : memref<12288xf32, #tpu.memory_space<vmem>> -> memref<4096xf32, #tpu.memory_space<vmem>>
    tpu.wait_dma2 semaphore(%dma_wait3A_92 : memref<!tpu.dma_semaphore, #tpu.memory_space<semaphore_mem>>) src(%dma_wait3A_95 : memref<4096xf32, #tpu.memory_space<vmem>>) dst(%dma_wait3A_93 : memref<4096xf32, #tpu.memory_space<hbm>>)
    %mul3A_96 = arith.constant 192 : i32
    %mul3A_97 = arith.muli %select_n3A, %mul3A_96 : i32
    %add3A_98 = arith.addi %mul3A_97, %mul3A_32 : i32
    %add3A_99 = arith.constant 46 : i32
    %add3A_100 = arith.addi %add3A_98, %add3A_99 : i32
    %mul3A_101 = arith.constant 4096 : i32
    %mul3A_102 = arith.muli %add3A_100, %mul3A_101 : i32
    %multiple_of3A_103 = tpu.assume_multiple %mul3A_102, 8 : i32
    %dma_wait3A_104 = arith.constant 1 : i32
    %dma_wait3A_105 = arith.constant 4096 : i32
    %dma_wait3A_106 = tpu.memref_slice %arg8[%dma_wait3A_105] : memref<12288xf32, #tpu.memory_space<vmem>> -> memref<4096xf32, #tpu.memory_space<vmem>>
    %dma_wait3A_107 = tpu.memref_slice %arg5[%multiple_of3A_103] : memref<6291456xf32, #tpu.memory_space<hbm>> -> memref<4096xf32, #tpu.memory_space<hbm>>
    %dma_wait3A_108 = tpu.memref_slice %arg10[%dma_wait3A_104] : memref<3x!tpu.dma_semaphore, #tpu.memory_space<semaphore_mem>> -> memref<1x!tpu.dma_semaphore, #tpu.memory_space<semaphore_mem>>
    %dma_wait3A_109 = tpu.memref_squeeze %dma_wait3A_108 : memref<1x!tpu.dma_semaphore, #tpu.memory_space<semaphore_mem>> -> memref<!tpu.dma_semaphore, #tpu.memory_space<semaphore_mem>>
    %dma_wait3A_110 = tpu.memref_slice %arg5[%multiple_of3A_103] : memref<6291456xf32, #tpu.memory_space<hbm>> -> memref<4096xf32, #tpu.memory_space<hbm>>
    %dma_wait3A_111 = arith.constant 4096 : i32
    %dma_wait3A_112 = tpu.memref_slice %arg8[%dma_wait3A_111] : memref<12288xf32, #tpu.memory_space<vmem>> -> memref<4096xf32, #tpu.memory_space<vmem>>
    tpu.wait_dma2 semaphore(%dma_wait3A_109 : memref<!tpu.dma_semaphore, #tpu.memory_space<semaphore_mem>>) src(%dma_wait3A_112 : memref<4096xf32, #tpu.memory_space<vmem>>) dst(%dma_wait3A_110 : memref<4096xf32, #tpu.memory_space<hbm>>)
    %mul3A_113 = arith.constant 192 : i32
    %mul3A_114 = arith.muli %select_n3A, %mul3A_113 : i32
    %add3A_115 = arith.addi %mul3A_114, %mul3A_32 : i32
    %add3A_116 = arith.constant 47 : i32
    %add3A_117 = arith.addi %add3A_115, %add3A_116 : i32
    %mul3A_118 = arith.constant 4096 : i32
    %mul3A_119 = arith.muli %add3A_117, %mul3A_118 : i32
    %multiple_of3A_120 = tpu.assume_multiple %mul3A_119, 8 : i32
    %dma_wait3A_121 = arith.constant 2 : i32
    %dma_wait3A_122 = arith.constant 8192 : i32
    %dma_wait3A_123 = tpu.memref_slice %arg8[%dma_wait3A_122] : memref<12288xf32, #tpu.memory_space<vmem>> -> memref<4096xf32, #tpu.memory_space<vmem>>
    %dma_wait3A_124 = tpu.memref_slice %arg5[%multiple_of3A_120] : memref<6291456xf32, #tpu.memory_space<hbm>> -> memref<4096xf32, #tpu.memory_space<hbm>>
    %dma_wait3A_125 = tpu.memref_slice %arg10[%dma_wait3A_121] : memref<3x!tpu.dma_semaphore, #tpu.memory_space<semaphore_mem>> -> memref<1x!tpu.dma_semaphore, #tpu.memory_space<semaphore_mem>>
    %dma_wait3A_126 = tpu.memref_squeeze %dma_wait3A_125 : memref<1x!tpu.dma_semaphore, #tpu.memory_space<semaphore_mem>> -> memref<!tpu.dma_semaphore, #tpu.memory_space<semaphore_mem>>
    %dma_wait3A_127 = tpu.memref_slice %arg5[%multiple_of3A_120] : memref<6291456xf32, #tpu.memory_space<hbm>> -> memref<4096xf32, #tpu.memory_space<hbm>>
    %dma_wait3A_128 = arith.constant 8192 : i32
    %dma_wait3A_129 = tpu.memref_slice %arg8[%dma_wait3A_128] : memref<12288xf32, #tpu.memory_space<vmem>> -> memref<4096xf32, #tpu.memory_space<vmem>>
    tpu.wait_dma2 semaphore(%dma_wait3A_126 : memref<!tpu.dma_semaphore, #tpu.memory_space<semaphore_mem>>) src(%dma_wait3A_129 : memref<4096xf32, #tpu.memory_space<vmem>>) dst(%dma_wait3A_127 : memref<4096xf32, #tpu.memory_space<hbm>>)
    return
  }
}

#map = affine_map<(d0, d1) -> (0)>
module attributes {stable_mosaic.version = 14 : i64} {
  func.func @_gather_body(%arg0: i32, %arg1: i32, %arg2: memref<32768xi32, #tpu.memory_space<hbm>>, %arg3: memref<6291456xf32, #tpu.memory_space<hbm>>, %arg4: memref<270336xf32, #tpu.memory_space<hbm>>, %arg5: memref<1408xi32, #tpu.memory_space<hbm>>, %arg6: memref<4096xi32, #tpu.memory_space<vmem>>, %arg7: memref<192xi32, #tpu.memory_space<vmem>>, %arg8: memref<8448xi32, #tpu.memory_space<vmem>>, %arg9: memref<8448xf32, #tpu.memory_space<vmem>>, %arg10: memref<!tpu.dma_semaphore, #tpu.memory_space<semaphore_mem>>, %arg11: memref<!tpu.dma_semaphore, #tpu.memory_space<semaphore_mem>>) attributes {dimension_semantics = [#tpu.dimension_semantics<core_parallel>, #tpu.dimension_semantics<subcore_parallel>], iteration_bounds = array<i64: 2, 16>, scalar_prefetch = 0 : i64, scratch_operands = 6 : i64, tpu.core_type = #tpu.core_type<sc_vector_subcore>, window_params = [{transform_indices = #map}, {transform_indices = #map}, {transform_indices = #map}, {transform_indices = #map}]} {
    %mul3A = arith.constant 2 : i32
    %mul3A_0 = arith.muli %arg1, %mul3A : i32
    %add3A = arith.addi %mul3A_0, %arg0 : i32
    %jit3A = arith.constant 4 : i32
    %div3A = arith.divsi %add3A, %jit3A : i32
    %sign3A = arith.constant 0 : i32
    %sign3A_1 = arith.cmpi sgt, %add3A, %sign3A : i32
    %sign3A_2 = arith.extui %sign3A_1 : i1 to i32
    %sign3A_3 = arith.constant 0 : i32
    %sign3A_4 = arith.cmpi slt, %add3A, %sign3A_3 : i32
    %sign3A_5 = arith.extui %sign3A_4 : i1 to i32
    %sign3A_6 = arith.subi %sign3A_2, %sign3A_5 : i32
    %sign3A_7 = arith.constant 0 : i32
    %sign3A_8 = arith.cmpi sgt, %jit3A, %sign3A_7 : i32
    %sign3A_9 = arith.extui %sign3A_8 : i1 to i32
    %sign3A_10 = arith.constant 0 : i32
    %sign3A_11 = arith.cmpi slt, %jit3A, %sign3A_10 : i32
    %sign3A_12 = arith.extui %sign3A_11 : i1 to i32
    %sign3A_13 = arith.subi %sign3A_9, %sign3A_12 : i32
    %ne3A = arith.cmpi ne, %sign3A_6, %sign3A_13 : i32
    %rem3A = arith.remsi %add3A, %jit3A : i32
    %ne3A_14 = arith.constant 0 : i32
    %ne3A_15 = arith.cmpi ne, %rem3A, %ne3A_14 : i32
    %and3A = arith.andi %ne3A, %ne3A_15 : i1
    %sub3A = arith.constant 1 : i32
    %sub3A_16 = arith.subi %div3A, %sub3A : i32
    %select_n3A = arith.select %and3A, %sub3A_16, %div3A : i32
    %jit3A_17 = arith.constant 4 : i32
    %eq3A = arith.constant 0 : i32
    %eq3A_18 = arith.cmpi eq, %jit3A_17, %eq3A : i32
    %jit3A_19 = arith.constant 1 : i32
    %select_n3A_20 = arith.select %eq3A_18, %jit3A_19, %jit3A_17 : i32
    %rem3A_21 = arith.remsi %add3A, %select_n3A_20 : i32
    %ne3A_22 = arith.constant 0 : i32
    %ne3A_23 = arith.cmpi ne, %rem3A_21, %ne3A_22 : i32
    %lt3A = arith.constant 0 : i32
    %lt3A_24 = arith.cmpi slt, %rem3A_21, %lt3A : i32
    %lt3A_25 = arith.constant 0 : i32
    %lt3A_26 = arith.cmpi slt, %select_n3A_20, %lt3A_25 : i32
    %ne3A_27 = arith.xori %lt3A_24, %lt3A_26 : i1
    %and3A_28 = arith.andi %ne3A_27, %ne3A_23 : i1
    %add3A_29 = arith.addi %rem3A_21, %select_n3A_20 : i32
    %select_n3A_30 = arith.select %and3A_28, %add3A_29, %rem3A_21 : i32
    %mul3A_31 = arith.constant 48 : i32
    %mul3A_32 = arith.muli %select_n3A_30, %mul3A_31 : i32
    %iota3A = tpu.iota {dimensions = array<i32: 0>} : vector<16xi32>
    %mul3A_33 = arith.constant 4096 : i32
    %mul3A_34 = arith.muli %select_n3A, %mul3A_33 : i32
    %multiple_of3A = tpu.assume_multiple %mul3A_34, 8 : i32
    "tpu.region"() ({
      %run_scoped3A = tpu.sem_alloc : memref<!tpu.dma_semaphore, #tpu.memory_space<semaphore_mem>>
      %dma_start3A = tpu.memref_slice %arg2[%multiple_of3A] : memref<32768xi32, #tpu.memory_space<hbm>> -> memref<4096xi32, #tpu.memory_space<hbm>>
      %dma_start3A_86 = tpu.memref_slice %arg2[%multiple_of3A] : memref<32768xi32, #tpu.memory_space<hbm>> -> memref<4096xi32, #tpu.memory_space<hbm>>
      tpu.enqueue_dma source(%dma_start3A_86 : memref<4096xi32, #tpu.memory_space<hbm>>) target(%arg6 : memref<4096xi32, #tpu.memory_space<vmem>>) target_semaphore(%run_scoped3A : memref<!tpu.dma_semaphore, #tpu.memory_space<semaphore_mem>>)
      %dma_wait3A = tpu.memref_slice %arg2[%multiple_of3A] : memref<32768xi32, #tpu.memory_space<hbm>> -> memref<4096xi32, #tpu.memory_space<hbm>>
      %dma_wait3A_87 = tpu.memref_slice %arg2[%multiple_of3A] : memref<32768xi32, #tpu.memory_space<hbm>> -> memref<4096xi32, #tpu.memory_space<hbm>>
      tpu.wait_dma2 semaphore(%run_scoped3A : memref<!tpu.dma_semaphore, #tpu.memory_space<semaphore_mem>>) src(%dma_wait3A_87 : memref<4096xi32, #tpu.memory_space<hbm>>) dst(%arg6 : memref<4096xi32, #tpu.memory_space<vmem>>)
      tpu.yield
    }) : () -> ()
    %scan3A = arith.constant 0 : i32
    %scan3A_35 = arith.constant 0 : i32
    %scan3A_36 = arith.constant 12 : i32
    %scan3A_37 = arith.addi %scan3A_35, %scan3A_36 : i32
    %scan3A_38 = arith.constant 1 : i32
    %scan3A_39 = scf.for %scan3A_86 = %scan3A_35 to %scan3A_37 step %scan3A_38 iter_args(%scan3A_87 = %scan3A) -> (i32)  : i32 {
      %broadcast_in_dim3A = arith.constant 0 : i32
      %broadcast_in_dim3A_88 = vector.broadcast %broadcast_in_dim3A : i32 to vector<16xi32>
      %mul3A_89 = arith.constant 16 : i32
      %mul3A_90 = arith.muli %scan3A_86, %mul3A_89 : i32
      %swap3A = arith.index_cast %mul3A_90 : i32 to index
      %swap3A_91 = tpu.vector_load %arg7[%swap3A] {strides = array<i32>} : memref<192xi32, #tpu.memory_space<vmem>>, vector<16xi32>,
      tpu.vector_store %arg7[%swap3A], %broadcast_in_dim3A_88 {strides = array<i32>} : memref<192xi32, #tpu.memory_space<vmem>>, vector<16xi32>,
      %scan3A_92 = arith.constant 0 : i32
      scf.yield %scan3A_92 : i32
    }
    %scan3A_40 = arith.constant 12 : i32
    %scan3A_41 = arith.constant 0 : i32
    %scan3A_42 = arith.constant 0 : i32
    %scan3A_43 = arith.constant 256 : i32
    %scan3A_44 = arith.addi %scan3A_42, %scan3A_43 : i32
    %scan3A_45 = arith.constant 1 : i32
    %scan3A_46 = scf.for %scan3A_86 = %scan3A_42 to %scan3A_44 step %scan3A_45 iter_args(%scan3A_87 = %scan3A_41) -> (i32)  : i32 {
      %mul3A_88 = arith.constant 16 : i32
      %mul3A_89 = arith.muli %scan3A_86, %mul3A_88 : i32
      %get3A = arith.index_cast %mul3A_89 : i32 to index
      %get3A_90 = tpu.vector_load %arg6[%get3A] {strides = array<i32>} : memref<4096xi32, #tpu.memory_space<vmem>>, vector<16xi32>,
      %mul3A_91 = arith.constant 16 : i32
      %mul3A_92 = arith.muli %scan3A_86, %mul3A_91 : i32
      %add3A_93 = vector.broadcast %mul3A_92 : i32 to vector<16xi32>
      %add3A_94 = arith.addi %iota3A, %add3A_93 : vector<16xi32>
      %lt3A_95 = arith.constant 16384 : i32
      %lt3A_96 = vector.broadcast %lt3A_95 : i32 to vector<16xi32>
      %lt3A_97 = arith.cmpi slt, %get3A_90, %lt3A_96 : vector<16xi32>
      tpu.vector_store_idx %arg7[%get3A_90], %add3A_94 masked %lt3A_97 : memref<192xi32, #tpu.memory_space<vmem>>[vector<16xi32>], vector<16xi32>, vector<16xi1>
      %scan3A_98 = arith.constant 0 : i32
      scf.yield %scan3A_98 : i32
    }
    %scan3A_47 = arith.constant 256 : i32
    %eq3A_48 = arith.constant 0 : i32
    %eq3A_49 = arith.cmpi eq, %mul3A_32, %eq3A_48 : i32
    %convert_element_type3A = arith.extui %eq3A_49 : i1 to i32
    %cond3A = arith.constant 0 : i32
    %cond3A_50 = arith.cmpi ne, %convert_element_type3A, %cond3A : i32
    scf.if %cond3A_50 {
      %mul3A_86 = arith.constant 176 : i32
      %mul3A_87 = arith.muli %select_n3A, %mul3A_86 : i32
      %multiple_of3A_88 = tpu.assume_multiple %mul3A_87, 8 : i32
      "tpu.region"() ({
        %run_scoped3A = tpu.sem_alloc : memref<!tpu.dma_semaphore, #tpu.memory_space<semaphore_mem>>
        %dma_start3A = arith.constant 0 : i32
        %dma_start3A_89 = tpu.memref_slice %arg7[%dma_start3A] : memref<192xi32, #tpu.memory_space<vmem>> -> memref<176xi32, #tpu.memory_space<vmem>>
        %dma_start3A_90 = tpu.memref_slice %arg5[%multiple_of3A_88] : memref<1408xi32, #tpu.memory_space<hbm>> -> memref<176xi32, #tpu.memory_space<hbm>>
        %dma_start3A_91 = tpu.memref_slice %arg5[%multiple_of3A_88] : memref<1408xi32, #tpu.memory_space<hbm>> -> memref<176xi32, #tpu.memory_space<hbm>>
        %dma_start3A_92 = arith.constant 0 : i32
        %dma_start3A_93 = tpu.memref_slice %arg7[%dma_start3A_92] : memref<192xi32, #tpu.memory_space<vmem>> -> memref<176xi32, #tpu.memory_space<vmem>>
        tpu.enqueue_dma source(%dma_start3A_93 : memref<176xi32, #tpu.memory_space<vmem>>) target(%dma_start3A_91 : memref<176xi32, #tpu.memory_space<hbm>>) target_semaphore(%run_scoped3A : memref<!tpu.dma_semaphore, #tpu.memory_space<semaphore_mem>>)
        %dma_wait3A = arith.constant 0 : i32
        %dma_wait3A_94 = tpu.memref_slice %arg7[%dma_wait3A] : memref<192xi32, #tpu.memory_space<vmem>> -> memref<176xi32, #tpu.memory_space<vmem>>
        %dma_wait3A_95 = tpu.memref_slice %arg5[%multiple_of3A_88] : memref<1408xi32, #tpu.memory_space<hbm>> -> memref<176xi32, #tpu.memory_space<hbm>>
        %dma_wait3A_96 = tpu.memref_slice %arg5[%multiple_of3A_88] : memref<1408xi32, #tpu.memory_space<hbm>> -> memref<176xi32, #tpu.memory_space<hbm>>
        %dma_wait3A_97 = arith.constant 0 : i32
        %dma_wait3A_98 = tpu.memref_slice %arg7[%dma_wait3A_97] : memref<192xi32, #tpu.memory_space<vmem>> -> memref<176xi32, #tpu.memory_space<vmem>>
        tpu.wait_dma2 semaphore(%run_scoped3A : memref<!tpu.dma_semaphore, #tpu.memory_space<semaphore_mem>>) src(%dma_wait3A_98 : memref<176xi32, #tpu.memory_space<vmem>>) dst(%dma_wait3A_96 : memref<176xi32, #tpu.memory_space<hbm>>)
        tpu.yield
      }) : () -> ()
    } else {
    }
    %scan3A_51 = arith.constant 0 : i32
    %scan3A_52 = arith.constant 0 : i32
    %scan3A_53 = arith.constant 48 : i32
    %scan3A_54 = arith.addi %scan3A_52, %scan3A_53 : i32
    %scan3A_55 = arith.constant 1 : i32
    %scan3A_56 = scf.for %scan3A_86 = %scan3A_52 to %scan3A_54 step %scan3A_55 iter_args(%scan3A_87 = %scan3A_51) -> (i32)  : i32 {
      %mul3A_88 = arith.constant 192 : i32
      %mul3A_89 = arith.muli %select_n3A, %mul3A_88 : i32
      %add3A_90 = arith.addi %mul3A_89, %mul3A_32 : i32
      %add3A_91 = arith.addi %add3A_90, %scan3A_86 : i32
      %mul3A_92 = arith.constant 4096 : i32
      %mul3A_93 = arith.muli %add3A_91, %mul3A_92 : i32
      %scan3A_94 = arith.constant 0 : i32
      %scan3A_95 = arith.constant 0 : i32
      %scan3A_96 = arith.constant 11 : i32
      %scan3A_97 = arith.addi %scan3A_95, %scan3A_96 : i32
      %scan3A_98 = arith.constant 1 : i32
      %scan3A_99 = scf.for %scan3A_102 = %scan3A_95 to %scan3A_97 step %scan3A_98 iter_args(%scan3A_103 = %scan3A_94) -> (i32)  : i32 {
        %mul3A_104 = arith.constant 16 : i32
        %mul3A_105 = arith.muli %scan3A_102, %mul3A_104 : i32
        %get3A = arith.index_cast %mul3A_105 : i32 to index
        %get3A_106 = tpu.vector_load %arg7[%get3A] {strides = array<i32>} : memref<192xi32, #tpu.memory_space<vmem>>, vector<16xi32>,
        %add3A_107 = vector.broadcast %mul3A_93 : i32 to vector<16xi32>
        %add3A_108 = arith.addi %get3A_106, %add3A_107 : vector<16xi32>
        %mul3A_109 = arith.constant 176 : i32
        %mul3A_110 = arith.muli %scan3A_86, %mul3A_109 : i32
        %mul3A_111 = arith.constant 16 : i32
        %mul3A_112 = arith.muli %scan3A_102, %mul3A_111 : i32
        %add3A_113 = arith.addi %mul3A_110, %mul3A_112 : i32
        %swap3A = arith.index_cast %add3A_113 : i32 to index
        %swap3A_114 = tpu.vector_load %arg8[%swap3A] {strides = array<i32>} : memref<8448xi32, #tpu.memory_space<vmem>>, vector<16xi32>,
        tpu.vector_store %arg8[%swap3A], %add3A_108 {strides = array<i32>} : memref<8448xi32, #tpu.memory_space<vmem>>, vector<16xi32>,
        %scan3A_115 = arith.constant 0 : i32
        scf.yield %scan3A_115 : i32
      }
      %scan3A_100 = arith.constant 11 : i32
      %scan3A_101 = arith.constant 0 : i32
      scf.yield %scan3A_101 : i32
    }
    %scan3A_57 = arith.constant 48 : i32
    %scan3A_58 = arith.constant 0 : i32
    %scan3A_59 = arith.constant 0 : i32
    %scan3A_60 = arith.constant 66 : i32
    %scan3A_61 = arith.addi %scan3A_59, %scan3A_60 : i32
    %scan3A_62 = arith.constant 1 : i32
    %scan3A_63 = scf.for %scan3A_86 = %scan3A_59 to %scan3A_61 step %scan3A_62 iter_args(%scan3A_87 = %scan3A_58) -> (i32)  : i32 {
      %mul3A_88 = arith.constant 128 : i32
      %mul3A_89 = arith.muli %scan3A_86, %mul3A_88 : i32
      %mul3A_90 = arith.constant 128 : i32
      %mul3A_91 = arith.muli %scan3A_86, %mul3A_90 : i32
      %dma_start3A = tpu.memref_slice %arg9[%mul3A_91] : memref<8448xf32, #tpu.memory_space<vmem>> -> memref<128xf32, #tpu.memory_space<vmem>>
      %dma_start3A_92 = tpu.memref_slice %arg8[%mul3A_89] : memref<8448xi32, #tpu.memory_space<vmem>> -> memref<128xi32, #tpu.memory_space<vmem>>
      %dma_start3A_93 = arith.constant 0 : i32
      %dma_start3A_94 = tpu.memref_slice %arg3[%dma_start3A_93] : memref<6291456xf32, #tpu.memory_space<hbm>> -> memref<6291456xf32, #tpu.memory_space<hbm>>
      tpu.enqueue_indirect_dma source(%dma_start3A_94 : memref<6291456xf32, #tpu.memory_space<hbm>>) target(%dma_start3A : memref<128xf32, #tpu.memory_space<vmem>>) offsets(%dma_start3A_92 : memref<128xi32, #tpu.memory_space<vmem>>) semaphore(%arg10 : memref<!tpu.dma_semaphore, #tpu.memory_space<semaphore_mem>>)
      %scan3A_95 = arith.constant 0 : i32
      scf.yield %scan3A_95 : i32
    }
    %scan3A_64 = arith.constant 66 : i32
    %scan3A_65 = arith.constant 0 : i32
    %scan3A_66 = arith.constant 0 : i32
    %scan3A_67 = arith.constant 66 : i32
    %scan3A_68 = arith.addi %scan3A_66, %scan3A_67 : i32
    %scan3A_69 = arith.constant 1 : i32
    %scan3A_70 = scf.for %scan3A_86 = %scan3A_66 to %scan3A_68 step %scan3A_69 iter_args(%scan3A_87 = %scan3A_65) -> (i32)  : i32 {
      %mul3A_88 = arith.constant 128 : i32
      %mul3A_89 = arith.muli %scan3A_86, %mul3A_88 : i32
      %mul3A_90 = arith.constant 128 : i32
      %mul3A_91 = arith.muli %scan3A_86, %mul3A_90 : i32
      %dma_wait3A = tpu.memref_slice %arg9[%mul3A_91] : memref<8448xf32, #tpu.memory_space<vmem>> -> memref<128xf32, #tpu.memory_space<vmem>>
      %dma_wait3A_92 = tpu.memref_slice %arg8[%mul3A_89] : memref<8448xi32, #tpu.memory_space<vmem>> -> memref<128xi32, #tpu.memory_space<vmem>>
      %dma_wait3A_93 = arith.constant 0 : i32
      %dma_wait3A_94 = tpu.memref_slice %arg3[%dma_wait3A_93] : memref<6291456xf32, #tpu.memory_space<hbm>> -> memref<6291456xf32, #tpu.memory_space<hbm>>
      tpu.wait_indirect_dma semaphore(%arg10 : memref<!tpu.dma_semaphore, #tpu.memory_space<semaphore_mem>>) src(%dma_wait3A_94 : memref<6291456xf32, #tpu.memory_space<hbm>>) dst(%dma_wait3A : memref<128xf32, #tpu.memory_space<vmem>>)
      %scan3A_95 = arith.constant 0 : i32
      scf.yield %scan3A_95 : i32
    }
    %scan3A_71 = arith.constant 66 : i32
    %scan3A_72 = arith.constant 0 : i32
    %scan3A_73 = arith.constant 0 : i32
    %scan3A_74 = arith.constant 48 : i32
    %scan3A_75 = arith.addi %scan3A_73, %scan3A_74 : i32
    %scan3A_76 = arith.constant 1 : i32
    %scan3A_77 = scf.for %scan3A_86 = %scan3A_73 to %scan3A_75 step %scan3A_76 iter_args(%scan3A_87 = %scan3A_72) -> (i32)  : i32 {
      %add3A_88 = arith.constant 160 : i32
      %add3A_89 = vector.broadcast %add3A_88 : i32 to vector<16xi32>
      %add3A_90 = arith.addi %iota3A, %add3A_89 : vector<16xi32>
      %mul3A_91 = arith.constant 176 : i32
      %mul3A_92 = arith.muli %scan3A_86, %mul3A_91 : i32
      %add3A_93 = arith.constant 160 : i32
      %add3A_94 = arith.addi %mul3A_92, %add3A_93 : i32
      %get3A = arith.index_cast %add3A_94 : i32 to index
      %get3A_95 = tpu.vector_load %arg9[%get3A] {strides = array<i32>} : memref<8448xf32, #tpu.memory_space<vmem>>, vector<16xf32>,
      %lt3A_96 = arith.constant 163 : i32
      %lt3A_97 = vector.broadcast %lt3A_96 : i32 to vector<16xi32>
      %lt3A_98 = arith.cmpi slt, %add3A_90, %lt3A_97 : vector<16xi32>
      %jit3A_99 = arith.constant 0.000000e+00 : f32
      %broadcast_in_dim3A = vector.broadcast %jit3A_99 : f32 to vector<16xf32>
      %select_n3A_100 = arith.select %lt3A_98, %get3A_95, %broadcast_in_dim3A : vector<16xi1>, vector<16xf32>
      %mul3A_101 = arith.constant 176 : i32
      %mul3A_102 = arith.muli %scan3A_86, %mul3A_101 : i32
      %add3A_103 = arith.constant 160 : i32
      %add3A_104 = arith.addi %mul3A_102, %add3A_103 : i32
      %swap3A = arith.index_cast %add3A_104 : i32 to index
      %swap3A_105 = tpu.vector_load %arg9[%swap3A] {strides = array<i32>} : memref<8448xf32, #tpu.memory_space<vmem>>, vector<16xf32>,
      tpu.vector_store %arg9[%swap3A], %select_n3A_100 {strides = array<i32>} : memref<8448xf32, #tpu.memory_space<vmem>>, vector<16xf32>,
      %mul3A_106 = arith.constant 176 : i32
      %mul3A_107 = arith.muli %scan3A_86, %mul3A_106 : i32
      %add3A_108 = arith.addi %mul3A_32, %scan3A_86 : i32
      %mul3A_109 = arith.constant 1408 : i32
      %mul3A_110 = arith.muli %add3A_108, %mul3A_109 : i32
      %mul3A_111 = arith.constant 176 : i32
      %mul3A_112 = arith.muli %select_n3A, %mul3A_111 : i32
      %add3A_113 = arith.addi %mul3A_110, %mul3A_112 : i32
      %multiple_of3A_114 = tpu.assume_multiple %add3A_113, 8 : i32
      %dma_start3A = tpu.memref_slice %arg9[%mul3A_107] : memref<8448xf32, #tpu.memory_space<vmem>> -> memref<176xf32, #tpu.memory_space<vmem>>
      %dma_start3A_115 = tpu.memref_slice %arg4[%multiple_of3A_114] : memref<270336xf32, #tpu.memory_space<hbm>> -> memref<176xf32, #tpu.memory_space<hbm>>
      %dma_start3A_116 = tpu.memref_slice %arg4[%multiple_of3A_114] : memref<270336xf32, #tpu.memory_space<hbm>> -> memref<176xf32, #tpu.memory_space<hbm>>
      %dma_start3A_117 = tpu.memref_slice %arg9[%mul3A_107] : memref<8448xf32, #tpu.memory_space<vmem>> -> memref<176xf32, #tpu.memory_space<vmem>>
      tpu.enqueue_dma source(%dma_start3A_117 : memref<176xf32, #tpu.memory_space<vmem>>) target(%dma_start3A_116 : memref<176xf32, #tpu.memory_space<hbm>>) target_semaphore(%arg11 : memref<!tpu.dma_semaphore, #tpu.memory_space<semaphore_mem>>)
      %scan3A_118 = arith.constant 0 : i32
      scf.yield %scan3A_118 : i32
    }
    %scan3A_78 = arith.constant 48 : i32
    %scan3A_79 = arith.constant 0 : i32
    %scan3A_80 = arith.constant 0 : i32
    %scan3A_81 = arith.constant 48 : i32
    %scan3A_82 = arith.addi %scan3A_80, %scan3A_81 : i32
    %scan3A_83 = arith.constant 1 : i32
    %scan3A_84 = scf.for %scan3A_86 = %scan3A_80 to %scan3A_82 step %scan3A_83 iter_args(%scan3A_87 = %scan3A_79) -> (i32)  : i32 {
      %mul3A_88 = arith.constant 176 : i32
      %mul3A_89 = arith.muli %scan3A_86, %mul3A_88 : i32
      %add3A_90 = arith.addi %mul3A_32, %scan3A_86 : i32
      %mul3A_91 = arith.constant 1408 : i32
      %mul3A_92 = arith.muli %add3A_90, %mul3A_91 : i32
      %mul3A_93 = arith.constant 176 : i32
      %mul3A_94 = arith.muli %select_n3A, %mul3A_93 : i32
      %add3A_95 = arith.addi %mul3A_92, %mul3A_94 : i32
      %multiple_of3A_96 = tpu.assume_multiple %add3A_95, 8 : i32
      %dma_wait3A = tpu.memref_slice %arg9[%mul3A_89] : memref<8448xf32, #tpu.memory_space<vmem>> -> memref<176xf32, #tpu.memory_space<vmem>>
      %dma_wait3A_97 = tpu.memref_slice %arg4[%multiple_of3A_96] : memref<270336xf32, #tpu.memory_space<hbm>> -> memref<176xf32, #tpu.memory_space<hbm>>
      %dma_wait3A_98 = tpu.memref_slice %arg4[%multiple_of3A_96] : memref<270336xf32, #tpu.memory_space<hbm>> -> memref<176xf32, #tpu.memory_space<hbm>>
      %dma_wait3A_99 = tpu.memref_slice %arg9[%mul3A_89] : memref<8448xf32, #tpu.memory_space<vmem>> -> memref<176xf32, #tpu.memory_space<vmem>>
      tpu.wait_dma2 semaphore(%arg11 : memref<!tpu.dma_semaphore, #tpu.memory_space<semaphore_mem>>) src(%dma_wait3A_99 : memref<176xf32, #tpu.memory_space<vmem>>) dst(%dma_wait3A_98 : memref<176xf32, #tpu.memory_space<hbm>>)
      %scan3A_100 = arith.constant 0 : i32
      scf.yield %scan3A_100 : i32
    }
    %scan3A_85 = arith.constant 48 : i32
    return
  }
}

module attributes {stable_mosaic.version = 14 : i64} {
  func.func @_score_body(%arg0: i32, %arg1: memref<1x192x32x128xf32, #tpu.memory_space<vmem>>, %arg2: memref<1x32x128xi32, #tpu.memory_space<vmem>>) attributes {dimension_semantics = [#tpu.dimension_semantics<arbitrary>], iteration_bounds = array<i64: 8>, scalar_prefetch = 0 : i64, scratch_operands = 0 : i64, tpu.core_type = #tpu.core_type<tc>, window_params = [{transform_indices = @transform_0, window_bounds = array<i64: 1, 192, 32, 128>}, {transform_indices = @transform_1, window_bounds = array<i64: 1, 32, 128>}]} {
    %get3A = arith.constant 0 : index
    %get3A_0 = arith.constant 0 : index
    %get3A_1 = arith.constant 0 : index
    %get3A_2 = arith.constant 0 : index
    %get3A_3 = vector.load %arg1[%get3A, %get3A_0, %get3A_1, %get3A_2] : memref<1x192x32x128xf32, #tpu.memory_space<vmem>>, vector<1x192x32x128xf32>
    %get3A_4 = vector.shape_cast %get3A_3 : vector<1x192x32x128xf32> to vector<192x32x128xf32>
    %abs3A = math.absf %get3A_4 : vector<192x32x128xf32>
    %reduce_sum3A = arith.constant dense<0.000000e+00> : vector<32x128xf32>
    %reduce_sum3A_5 = vector.multi_reduction <add>, %abs3A, %reduce_sum3A [0] : vector<192x32x128xf32> to vector<32x128xf32>
    %div3A = arith.constant 1.920000e+02 : f32
    %div3A_6 = vector.broadcast %div3A : f32 to vector<32x128xf32>
    %div3A_7 = arith.divf %reduce_sum3A_5, %div3A_6 : vector<32x128xf32>
    %bitcast_convert_type3A = tpu.bitcast %div3A_7 : vector<32x128xf32> -> vector<32x128xi32>
    %scan3A = arith.constant 0 : i32
    %scan3A_8 = arith.constant 0 : i32
    %scan3A_9 = arith.constant 31 : i32
    %scan3A_10 = arith.addi %scan3A_8, %scan3A_9 : i32
    %scan3A_11 = arith.constant 1 : i32
    %scan3A_12 = scf.for %scan3A_67 = %scan3A_8 to %scan3A_10 step %scan3A_11 iter_args(%scan3A_68 = %scan3A) -> (i32)  : i32 {
      %sub3A_69 = arith.constant 30 : i32
      %sub3A_70 = arith.subi %sub3A_69, %scan3A_67 : i32
      %shift_left3A = arith.constant 1 : i32
      %shift_left3A_71 = arith.shli %shift_left3A, %sub3A_70 : i32
      %or3A_72 = arith.ori %scan3A_68, %shift_left3A_71 : i32
      %ge3A = vector.broadcast %or3A_72 : i32 to vector<32x128xi32>
      %ge3A_73 = arith.cmpi sge, %bitcast_convert_type3A, %ge3A : vector<32x128xi32>
      %convert_element_type3A_74 = arith.extui %ge3A_73 : vector<32x128xi1> to vector<32x128xi32>
      %reduce_sum3A_75 = vector.shape_cast %convert_element_type3A_74 : vector<32x128xi32> to vector<1x32x128xi32>
      %reduce_sum3A_76 = arith.constant dense<0> : vector<1xi32>
      %reduce_sum3A_77 = vector.multi_reduction <add>, %reduce_sum3A_75, %reduce_sum3A_76 [1, 2] : vector<1x32x128xi32> to vector<1xi32>
      %reduce_sum3A_78 = vector.shape_cast %reduce_sum3A_77 : vector<1xi32> to vector<1x1x1xi32>
      %reduce_sum3A_79 = vector.extract %reduce_sum3A_78[0, 0, 0] : i32 from vector<1x1x1xi32>
      %ge3A_80 = arith.constant 163 : i32
      %ge3A_81 = arith.cmpi sge, %reduce_sum3A_79, %ge3A_80 : i32
      %select_n3A_82 = arith.select %ge3A_81, %or3A_72, %scan3A_68 : i32
      scf.yield %select_n3A_82 : i32
    }
    %scan3A_13 = arith.constant 31 : i32
    %gt3A = vector.broadcast %scan3A_12 : i32 to vector<32x128xi32>
    %gt3A_14 = arith.cmpi sgt, %bitcast_convert_type3A, %gt3A : vector<32x128xi32>
    %convert_element_type3A = arith.extui %gt3A_14 : vector<32x128xi1> to vector<32x128xi32>
    %reduce_sum3A_15 = vector.shape_cast %convert_element_type3A : vector<32x128xi32> to vector<1x32x128xi32>
    %reduce_sum3A_16 = arith.constant dense<0> : vector<1xi32>
    %reduce_sum3A_17 = vector.multi_reduction <add>, %reduce_sum3A_15, %reduce_sum3A_16 [1, 2] : vector<1x32x128xi32> to vector<1xi32>
    %reduce_sum3A_18 = vector.shape_cast %reduce_sum3A_17 : vector<1xi32> to vector<1x1x1xi32>
    %reduce_sum3A_19 = vector.extract %reduce_sum3A_18[0, 0, 0] : i32 from vector<1x1x1xi32>
    %sub3A = arith.constant 163 : i32
    %sub3A_20 = arith.subi %sub3A, %reduce_sum3A_19 : i32
    %eq3A = vector.broadcast %scan3A_12 : i32 to vector<32x128xi32>
    %eq3A_21 = arith.cmpi eq, %bitcast_convert_type3A, %eq3A : vector<32x128xi32>
    %iota3A = tpu.iota {dimensions = array<i32: 0>} : vector<32x128xi32>
    %iota3A_22 = tpu.iota {dimensions = array<i32: 1>} : vector<32x128xi32>
    %mul3A = arith.constant 128 : i32
    %mul3A_23 = vector.broadcast %mul3A : i32 to vector<32x128xi32>
    %mul3A_24 = arith.muli %iota3A, %mul3A_23 : vector<32x128xi32>
    %add3A = arith.addi %mul3A_24, %iota3A_22 : vector<32x128xi32>
    %scan3A_25 = arith.constant 0 : i32
    %scan3A_26 = arith.constant 4095 : i32
    %scan3A_27 = arith.constant 0 : i32
    %scan3A_28 = arith.constant 12 : i32
    %scan3A_29 = arith.addi %scan3A_27, %scan3A_28 : i32
    %scan3A_30 = arith.constant 1 : i32
    %scan3A_31:2 = scf.for %scan3A_67 = %scan3A_27 to %scan3A_29 step %scan3A_30 iter_args(%scan3A_68 = %scan3A_25, %scan3A_69 = %scan3A_26) -> (i32, i32)  : i32 {
      %add3A_70 = arith.addi %scan3A_68, %scan3A_69 : i32
      %jit3A_71 = arith.constant 2 : i32
      %div3A_72 = arith.divsi %add3A_70, %jit3A_71 : i32
      %sign3A = arith.constant 0 : i32
      %sign3A_73 = arith.cmpi sgt, %add3A_70, %sign3A : i32
      %sign3A_74 = arith.extui %sign3A_73 : i1 to i32
      %sign3A_75 = arith.constant 0 : i32
      %sign3A_76 = arith.cmpi slt, %add3A_70, %sign3A_75 : i32
      %sign3A_77 = arith.extui %sign3A_76 : i1 to i32
      %sign3A_78 = arith.subi %sign3A_74, %sign3A_77 : i32
      %sign3A_79 = arith.constant 0 : i32
      %sign3A_80 = arith.cmpi sgt, %jit3A_71, %sign3A_79 : i32
      %sign3A_81 = arith.extui %sign3A_80 : i1 to i32
      %sign3A_82 = arith.constant 0 : i32
      %sign3A_83 = arith.cmpi slt, %jit3A_71, %sign3A_82 : i32
      %sign3A_84 = arith.extui %sign3A_83 : i1 to i32
      %sign3A_85 = arith.subi %sign3A_81, %sign3A_84 : i32
      %ne3A = arith.cmpi ne, %sign3A_78, %sign3A_85 : i32
      %rem3A = arith.remsi %add3A_70, %jit3A_71 : i32
      %ne3A_86 = arith.constant 0 : i32
      %ne3A_87 = arith.cmpi ne, %rem3A, %ne3A_86 : i32
      %and3A_88 = arith.andi %ne3A, %ne3A_87 : i1
      %sub3A_89 = arith.constant 1 : i32
      %sub3A_90 = arith.subi %div3A_72, %sub3A_89 : i32
      %select_n3A_91 = arith.select %and3A_88, %sub3A_90, %div3A_72 : i32
      %le3A_92 = vector.broadcast %select_n3A_91 : i32 to vector<32x128xi32>
      %le3A_93 = arith.cmpi sle, %add3A, %le3A_92 : vector<32x128xi32>
      %and3A_94 = arith.andi %eq3A_21, %le3A_93 : vector<32x128xi1>
      %convert_element_type3A_95 = arith.extui %and3A_94 : vector<32x128xi1> to vector<32x128xi32>
      %reduce_sum3A_96 = vector.shape_cast %convert_element_type3A_95 : vector<32x128xi32> to vector<1x32x128xi32>
      %reduce_sum3A_97 = arith.constant dense<0> : vector<1xi32>
      %reduce_sum3A_98 = vector.multi_reduction <add>, %reduce_sum3A_96, %reduce_sum3A_97 [1, 2] : vector<1x32x128xi32> to vector<1xi32>
      %reduce_sum3A_99 = vector.shape_cast %reduce_sum3A_98 : vector<1xi32> to vector<1x1x1xi32>
      %reduce_sum3A_100 = vector.extract %reduce_sum3A_99[0, 0, 0] : i32 from vector<1x1x1xi32>
      %ge3A = arith.cmpi sge, %reduce_sum3A_100, %sub3A_20 : i32
      %add3A_101 = arith.constant 1 : i32
      %add3A_102 = arith.addi %select_n3A_91, %add3A_101 : i32
      %select_n3A_103 = arith.select %ge3A, %scan3A_68, %add3A_102 : i32
      %ge3A_104 = arith.cmpi sge, %reduce_sum3A_100, %sub3A_20 : i32
      %select_n3A_105 = arith.select %ge3A_104, %select_n3A_91, %scan3A_69 : i32
      scf.yield %select_n3A_103, %select_n3A_105 : i32, i32
    }
    %gt3A_32 = vector.broadcast %scan3A_12 : i32 to vector<32x128xi32>
    %gt3A_33 = arith.cmpi sgt, %bitcast_convert_type3A, %gt3A_32 : vector<32x128xi32>
    %le3A = vector.broadcast %scan3A_31#1 : i32 to vector<32x128xi32>
    %le3A_34 = arith.cmpi sle, %add3A, %le3A : vector<32x128xi32>
    %and3A = arith.andi %eq3A_21, %le3A_34 : vector<32x128xi1>
    %or3A = arith.ori %gt3A_33, %and3A : vector<32x128xi1>
    %convert_element_type3A_35 = arith.extui %or3A : vector<32x128xi1> to vector<32x128xi32>
    %convert_element_type3A_36 = arith.sitofp %convert_element_type3A_35 : vector<32x128xi32> to vector<32x128xf32>
    %iota3A_37 = tpu.iota {dimensions = array<i32: 0>} : vector<128x128xi32>
    %iota3A_38 = tpu.iota {dimensions = array<i32: 1>} : vector<128x128xi32>
    %le3A_39 = arith.cmpi sle, %iota3A_37, %iota3A_38 : vector<128x128xi32>
    %convert_element_type3A_40 = arith.extui %le3A_39 : vector<128x128xi1> to vector<128x128xi32>
    %convert_element_type3A_41 = arith.sitofp %convert_element_type3A_40 : vector<128x128xi32> to vector<128x128xf32>
    %dot_general3A = arith.constant dense<0.000000e+00> : vector<32x128xf32>
    %dot_general3A_42 = tpu.matmul %convert_element_type3A_36, %convert_element_type3A_41, %dot_general3A {dimension_numbers = #tpu.dot_dimension_numbers<[1], [0], [0], [1], [0, 0, 1, 1], [], []>, transpose_lhs_hint = false} : vector<32x128xf32>, vector<128x128xf32>, vector<32x128xf32> -> vector<32x128xf32>
    %iota3A_43 = tpu.iota {dimensions = array<i32: 0>} : vector<32x32xi32>
    %iota3A_44 = tpu.iota {dimensions = array<i32: 1>} : vector<32x32xi32>
    %lt3A = arith.cmpi slt, %iota3A_44, %iota3A_43 : vector<32x32xi32>
    %convert_element_type3A_45 = arith.extui %lt3A : vector<32x32xi1> to vector<32x32xi32>
    %convert_element_type3A_46 = arith.sitofp %convert_element_type3A_45 : vector<32x32xi32> to vector<32x32xf32>
    %eq3A_47 = arith.constant 127 : i32
    %eq3A_48 = vector.broadcast %eq3A_47 : i32 to vector<128x128xi32>
    %eq3A_49 = arith.cmpi eq, %iota3A_37, %eq3A_48 : vector<128x128xi32>
    %convert_element_type3A_50 = arith.extui %eq3A_49 : vector<128x128xi1> to vector<128x128xi32>
    %convert_element_type3A_51 = arith.sitofp %convert_element_type3A_50 : vector<128x128xi32> to vector<128x128xf32>
    %dot_general3A_52 = arith.constant dense<0.000000e+00> : vector<32x128xf32>
    %dot_general3A_53 = tpu.matmul %dot_general3A_42, %convert_element_type3A_51, %dot_general3A_52 {dimension_numbers = #tpu.dot_dimension_numbers<[1], [0], [0], [1], [0, 0, 1, 1], [], []>, transpose_lhs_hint = false} : vector<32x128xf32>, vector<128x128xf32>, vector<32x128xf32> -> vector<32x128xf32>
    %dot_general3A_54 = arith.constant dense<0.000000e+00> : vector<32x128xf32>
    %dot_general3A_55 = tpu.matmul %convert_element_type3A_46, %dot_general3A_53, %dot_general3A_54 {dimension_numbers = #tpu.dot_dimension_numbers<[1], [0], [0], [1], [0, 0, 1, 1], [], []>, transpose_lhs_hint = false} : vector<32x32xf32>, vector<32x128xf32>, vector<32x128xf32> -> vector<32x128xf32>
    %sub3A_56 = arith.subf %dot_general3A_42, %convert_element_type3A_36 : vector<32x128xf32>
    %add3A_57 = arith.addf %sub3A_56, %dot_general3A_55 : vector<32x128xf32>
    %gt3A_58 = arith.constant 0.000000e+00 : f32
    %gt3A_59 = vector.broadcast %gt3A_58 : f32 to vector<32x128xf32>
    %gt3A_60 = arith.cmpf ogt, %convert_element_type3A_36, %gt3A_59 : vector<32x128xf32>
    %jit3A = arith.constant 1.638400e+04 : f32
    %broadcast_in_dim3A = vector.broadcast %jit3A : f32 to vector<32x128xf32>
    %select_n3A = arith.select %gt3A_60, %add3A_57, %broadcast_in_dim3A : vector<32x128xi1>, vector<32x128xf32>
    %convert_element_type3A_61 = arith.fptosi %select_n3A : vector<32x128xf32> to vector<32x128xi32>
    %swap3A = arith.constant 0 : index
    %swap3A_62 = arith.constant 0 : index
    %swap3A_63 = arith.constant 0 : index
    %swap3A_64 = vector.load %arg2[%swap3A, %swap3A_62, %swap3A_63] : memref<1x32x128xi32, #tpu.memory_space<vmem>>, vector<1x32x128xi32>
    %swap3A_65 = vector.shape_cast %swap3A_64 : vector<1x32x128xi32> to vector<32x128xi32>
    %swap3A_66 = vector.shape_cast %convert_element_type3A_61 : vector<32x128xi32> to vector<1x32x128xi32>
    tpu.vector_store %arg2[%swap3A, %swap3A_62, %swap3A_63], %swap3A_66 {strides = array<i32>} : memref<1x32x128xi32, #tpu.memory_space<vmem>>, vector<1x32x128xi32>,
    return
  }
  func.func @transform_0(%arg0: i32) -> (i32, i32, i32, i32) {
    %c0_i32 = arith.constant 0 : i32
    %c0_i32_0 = arith.constant 0 : i32
    %c0_i32_1 = arith.constant 0 : i32
    %c0_i32_2 = arith.constant 0 : i32
    return %arg0, %c0_i32, %c0_i32_0, %c0_i32_1 : i32, i32, i32, i32
  }
  func.func @transform_1(%arg0: i32) -> (i32, i32, i32) {
    %c0_i32 = arith.constant 0 : i32
    %c0_i32_0 = arith.constant 0 : i32
    %c0_i32_1 = arith.constant 0 : i32
    return %arg0, %c0_i32, %c0_i32_0 : i32, i32, i32
  }
}

module attributes {stable_mosaic.version = 14 : i64} {
  func.func @_dense_body(%arg0: memref<192x1408xf32, #tpu.memory_space<vmem>>, %arg1: memref<192x192xf32, #tpu.memory_space<vmem>>, %arg2: memref<192x1xf32, #tpu.memory_space<vmem>>, %arg3: memref<192x1408xf32, #tpu.memory_space<vmem>>) attributes {dimension_semantics = [], scalar_prefetch = 0 : i64, scratch_operands = 0 : i64, tpu.core_type = #tpu.core_type<tc>} {
    %get3A = arith.constant 0 : index
    %get3A_0 = arith.constant 0 : index
    %get3A_1 = vector.load %arg0[%get3A, %get3A_0] : memref<192x1408xf32, #tpu.memory_space<vmem>>, vector<192x1408xf32>
    %mul3A = arith.mulf %get3A_1, %get3A_1 : vector<192x1408xf32>
    %reduce_sum3A = arith.constant dense<0.000000e+00> : vector<1408xf32>
    %reduce_sum3A_2 = vector.multi_reduction <add>, %mul3A, %reduce_sum3A [0] : vector<192x1408xf32> to vector<1408xf32>
    %broadcast_in_dim3A = vector.shape_cast %reduce_sum3A_2 : vector<1408xf32> to vector<1x1408xf32>
    %sqrt3A = math.sqrt %broadcast_in_dim3A : vector<1x1408xf32>
    %add3A = arith.constant 9.99999996E-13 : f32
    %add3A_3 = vector.broadcast %add3A : f32 to vector<1x1408xf32>
    %add3A_4 = arith.addf %sqrt3A, %add3A_3 : vector<1x1408xf32>
    %div3A = vector.broadcast %add3A_4 : vector<1x1408xf32> to vector<192x1408xf32>
    %div3A_5 = arith.divf %get3A_1, %div3A : vector<192x1408xf32>
    %dot_general3A = arith.constant dense<0.000000e+00> : vector<1408x1408xf32>
    %dot_general3A_6 = tpu.matmul %div3A_5, %div3A_5, %dot_general3A {dimension_numbers = #tpu.dot_dimension_numbers<[0], [0], [1], [1], [0, 1, 1, 1], [], []>, transpose_lhs_hint = false} : vector<192x1408xf32>, vector<192x1408xf32>, vector<1408x1408xf32> -> vector<1408x1408xf32>
    %sub3A = arith.constant 1.000000e+00 : f32
    %sub3A_7 = vector.broadcast %sub3A : f32 to vector<1408x1408xf32>
    %sub3A_8 = arith.subf %sub3A_7, %dot_general3A_6 : vector<1408x1408xf32>
    %mul3A_9 = arith.constant 5.000000e-01 : f32
    %mul3A_10 = vector.broadcast %mul3A_9 : f32 to vector<1408x1408xf32>
    %mul3A_11 = arith.mulf %sub3A_8, %mul3A_10 : vector<1408x1408xf32>
    %lt3A = arith.constant 2.000000e-01 : f32
    %lt3A_12 = vector.broadcast %lt3A : f32 to vector<1408x1408xf32>
    %lt3A_13 = arith.cmpf olt, %mul3A_11, %lt3A_12 : vector<1408x1408xf32>
    %jit3A = arith.constant 0.000000e+00 : f32
    %broadcast_in_dim3A_14 = vector.broadcast %jit3A : f32 to vector<1408x1408xf32>
    %select_n3A = arith.select %lt3A_13, %mul3A_11, %broadcast_in_dim3A_14 : vector<1408x1408xi1>, vector<1408x1408xf32>
    %get3A_15 = arith.constant 0 : index
    %get3A_16 = arith.constant 0 : index
    %get3A_17 = vector.load %arg1[%get3A_15, %get3A_16] : memref<192x192xf32, #tpu.memory_space<vmem>>, vector<192x192xf32>
    %dot_general3A_18 = arith.constant dense<0.000000e+00> : vector<192x1408xf32>
    %dot_general3A_19 = tpu.matmul %get3A_17, %get3A_1, %dot_general3A_18 {dimension_numbers = #tpu.dot_dimension_numbers<[0], [0], [1], [1], [0, 1, 1, 1], [], []>, transpose_lhs_hint = false} : vector<192x192xf32>, vector<192x1408xf32>, vector<192x1408xf32> -> vector<192x1408xf32>
    %get3A_20 = arith.constant 0 : index
    %get3A_21 = arith.constant 0 : index
    %get3A_22 = vector.load %arg2[%get3A_20, %get3A_21] : memref<192x1xf32, #tpu.memory_space<vmem>>, vector<192x1xf32>
    %add3A_23 = vector.broadcast %get3A_22 : vector<192x1xf32> to vector<192x1408xf32>
    %add3A_24 = arith.addf %dot_general3A_19, %add3A_23 : vector<192x1408xf32>
    %dot_general3A_25 = arith.constant dense<0.000000e+00> : vector<192x1408xf32>
    %dot_general3A_26 = tpu.matmul %add3A_24, %select_n3A, %dot_general3A_25 {dimension_numbers = #tpu.dot_dimension_numbers<[1], [0], [0], [1], [0, 0, 1, 1], [], []>, transpose_lhs_hint = false} : vector<192x1408xf32>, vector<1408x1408xf32>, vector<192x1408xf32> -> vector<192x1408xf32>
    %max3A = arith.constant 0.000000e+00 : f32
    %max3A_27 = vector.broadcast %max3A : f32 to vector<192x1408xf32>
    %max3A_28 = arith.maximumf %dot_general3A_26, %max3A_27 : vector<192x1408xf32>
    %swap3A = arith.constant 0 : index
    %swap3A_29 = arith.constant 0 : index
    %swap3A_30 = vector.load %arg3[%swap3A, %swap3A_29] : memref<192x1408xf32, #tpu.memory_space<vmem>>, vector<192x1408xf32>
    tpu.vector_store %arg3[%swap3A, %swap3A_29], %max3A_28 {strides = array<i32>} : memref<192x1408xf32, #tpu.memory_space<vmem>>, vector<192x1408xf32>,
    return
  }
}

</mosaic_0001>

<sc_bundles>
// kernel: kernel.6.cloned.1.call-start
scs
__scs_entry_jumppad:
0x0: {  	(pc) =	sbr.rel $0x88, $3  }
0x1: {  	(tag) =	ssettag $0x0;
	lr =	simm.s32 $0x1  }
0x2: {  	[smem:$0x3F9E] =	sst lr;
	_ =	strace $0xD0000000  }
0x3: {  	_ = 	snop  }
0x4: {  	_ = 	snop  }
0x5: {  	_ = 	snop  }
0x6: {  	_ = 	snop  }
0x7: {  	_ = 	snop  }
__scs_overlays_trampoline_lowered:
0x8: {  	[smem:$0x3FAD] =	sst s0  }
0x9: {  	[smem:$0x3FAE] =	sst s1  }
0xa: {  	[smem:$0x3FAF] =	sst s2  }
0xb: {  	[smem:$0x3FB0] =	sst s3  }
0xc: {  	[smem:$0x3FB1] =	sst s4  }
0xd: {  	[smem:$0x3FB2] =	sst s5  }
0xe: {  	[smem:$0x3FB3] =	sst s6  }
0xf: {  	[smem:$0x3FB4] =	sst s7  }
0x10: {  	[smem:$0x3FB5] =	sst s8  }
0x11: {  	[smem:$0x3FB6] =	sst s9;
	s0 =	simm.s32 @!p0 $0x0  }
0x12: {  	s1 =	sld [smem:$0x3F9C];
	s0 =	simm.s32 @p0 $0x1  }
0x13: {  	[smem:$0x3FB7] =	sst s0;
	s0 =	simm.s32 @!p1 $0x0  }
0x14: {  	s2 =	sld [smem:$0x3F9B];
	s0 =	simm.s32 @p1 $0x1  }
0x15: {  	[smem:$0x3FB8] =	sst s0;
	s0 =	simm.s32 @!p2 $0x0  }
0x16: {  	s3 =	sld [smem:$0x3FDB];
	s0 =	simm.s32 @p2 $0x1  }
0x17: {  	s4 =	simm.s32 $0x1BF5;
	[smem:$0x3FBA] =	sst s0  }
0x18: {  	s0 =	sld [smem:$0x3F9D];
	_ =	swait.ge [sflag:s4], $0x0  }
0x19: {  	s7 =	sld [smem:$0x3F9E]  }
0x1a: {  	s8 =	sadd.s32 $0xFFFFE003, lr  }
0x1b: {  	s9 =	sadd.s32 $0xFFFFFEF7, lr;
	s5 =	simm.s32 $0xFFFFFFFF;
	p2 =	slt.u32 s8, $0xFFFFF086  }
0x1c: {  	p1 =	slt.u32 s9, $0xF7A;
	s5 =	simm.s32 @!p2 $0x0  }
0x1d: {  	s5 =	simm.s32 @p1 $0x1;
	p0 =	seq.s32 s7, s2  }
0x1e: {  	s7 =	smul.u32 @!p0 $0xF7A, s2;
	p2 =	seq.s32 @!p0 s5, $0x0  }
0x1f: {  	s9 =	smul.u32 $0xF7A, s1;
	s8 =	simm.s32 @!p0 $0x1BF5;
	p2 =	por !p2, p0  }
0x20: {  	[sflag:s8] =	ssyncset.s32 @!p0 $0xFFFFF086;
	s6 =	sadd.s32 @!p0 s3, s7;
	s7 =	simm.s32 @!p0 $0x108  }
0x21: {  	s3 =	sadd.s32 s3, s9;
	s6 =	sadd.s32 @!p0 $0x88, s6;
	s7 =	simm.s32 @p2 $0x1082  }
0x22: {  	[simem:s7], [sflag:s8] =	dma.local @!p0 [hbm:s6], $0xF7A  }
0x23: {  	s9 =	sor.u32 $0xD0000000, s2;
	s6 =	simm.s32 $0x108;
	_ =	swait.ge @!p0 [sflag:s8], $0x0  }
0x24: {  	s3 =	sadd.s32 $0x88, s3;
	s6 =	simm.s32 @!p1 $0x1082;
	[sflag:s4] =	ssyncset.s32 $0xFFFFF086  }
0x25: {  	[simem:s6], [sflag:s4] =	dma.local [hbm:s3], $0xF7A  }
0x26: {  	[smem:$0x3F9E] =	sst s1;
	(tag) =	ssettag s2;
	_ =	strace s9  }
0x27: {  	s1 =	sld [smem:$0x3FAE]  }
0x28: {  	s2 =	sld [smem:$0x3FAF]  }
0x29: {  	s4 =	sld [smem:$0x3FB1]  }
0x2a: {  	p0 =	seq.s32 s5, $0x0;
	s5 =	sld [smem:$0x3FB2]  }
0x2b: {  	s6 =	sld [smem:$0x3FB3]  }
0x2c: {  	s7 =	sld [smem:$0x3FB4]  }
0x2d: {  	s3 =	simm.s32 $0x108;
	s8 =	sld [smem:$0x3FB5]  }
0x2e: {  	s3 =	simm.s32 @!p0 $0x1082;
	s9 =	sld [smem:$0x3FB6]  }
0x2f: {  	lr =	sadd.s32 s0, s3;
	s0 =	sld [smem:$0x3FAD]  }
0x30: {  	s3 =	sld [smem:$0x3FB0]  }
0x31: {  	[smem:$0x3FB9] =	sst s10  }
0x32: {  	s10 =	sld [smem:$0x3FB7];
	_ =	sdelay $0x3  }
0x33: {  	p0 =	seq.s32 s10, $0x1;
	s10 =	sld [smem:$0x3FB9];
	_ =	sdelay $0x3  }
0x34: {  	[smem:$0x3FB9] =	sst s10  }
0x35: {  	s10 =	sld [smem:$0x3FB8];
	_ =	sdelay $0x3  }
0x36: {  	p1 =	seq.s32 s10, $0x1;
	s10 =	sld [smem:$0x3FB9];
	_ =	sdelay $0x3  }
0x37: {  	[smem:$0x3FB9] =	sst s10  }
0x38: {  	s10 =	sld [smem:$0x3FBA]  }
0x39: {  	_ = 	snop;
	(pc) =	sbr.ind lr, $3  }
0x3a: {  	_ = 	snop  }
0x3b: {  	_ = 	snop  }
0x3c: {  	p2 =	seq.s32 s10, $0x1;
	s10 =	sld [smem:$0x3FB9]  }
0x3d: {  	_ =	shalt  }
0x3e: {  	_ =	shalt  }
0x3f: {  	_ =	shalt  }
0x40: {  	_ =	shalt  }
0x41: {  	_ =	shalt  }
0x42: {  	_ =	shalt  }
0x43: {  	_ =	shalt  }
0x44: {  	_ =	shalt  }
0x45: {  	_ =	shalt  }
0x46: {  	_ =	shalt  }
0x47: {  	_ =	shalt  }
0x48: {  	_ =	shalt  }
0x49: {  	_ =	shalt  }
0x4a: {  	_ =	shalt  }
0x4b: {  	_ =	shalt  }
0x4c: {  	_ =	shalt  }
0x4d: {  	_ =	shalt  }
0x4e: {  	_ =	shalt  }
0x4f: {  	_ =	shalt  }
0x50: {  	_ =	shalt  }
0x51: {  	_ =	shalt  }
0x52: {  	_ =	shalt  }
0x53: {  	_ =	shalt  }
0x54: {  	_ =	shalt  }
0x55: {  	_ =	shalt  }
0x56: {  	_ =	shalt  }
0x57: {  	_ =	shalt  }
0x58: {  	_ =	shalt  }
0x59: {  	_ =	shalt  }
0x5a: {  	_ =	shalt  }
0x5b: {  	_ =	shalt  }
0x5c: {  	_ =	shalt  }
0x5d: {  	_ =	shalt  }
0x5e: {  	_ =	shalt  }
0x5f: {  	_ =	shalt  }
0x60: {  	_ =	shalt  }
0x61: {  	_ =	shalt  }
0x62: {  	_ =	shalt  }
0x63: {  	_ =	shalt  }
0x64: {  	_ =	shalt  }
0x65: {  	_ =	shalt  }
0x66: {  	_ =	shalt  }
0x67: {  	_ =	shalt  }
0x68: {  	_ =	shalt  }
0x69: {  	_ =	shalt  }
0x6a: {  	_ =	shalt  }
0x6b: {  	_ =	shalt  }
0x6c: {  	_ =	shalt  }
0x6d: {  	_ =	shalt  }
0x6e: {  	_ =	shalt  }
0x6f: {  	_ =	shalt  }
0x70: {  	_ =	shalt  }
0x71: {  	_ =	shalt  }
0x72: {  	_ =	shalt  }
0x73: {  	_ =	shalt  }
0x74: {  	_ =	shalt  }
0x75: {  	_ =	shalt  }
0x76: {  	_ =	shalt  }
0x77: {  	_ =	shalt  }
0x78: {  	_ =	shalt  }
0x79: {  	_ =	shalt  }
0x7a: {  	_ =	shalt  }
0x7b: {  	_ =	shalt  }
0x7c: {  	_ =	shalt  }
0x7d: {  	_ =	shalt  }
0x7e: {  	_ =	shalt  }
0x7f: {  	_ =	shalt  }
0x80: {  	_ =	shalt  }
0x81: {  	_ =	shalt  }
0x82: {  	_ =	shalt  }
0x83: {  	_ =	shalt  }
0x84: {  	_ =	shalt  }
0x85: {  	_ =	shalt  }
0x86: {  	_ =	shalt  }
0x87: {  	_ =	shalt  }
.Lfunc_end0:
.L_simem_size_0:
called_computation_lowered:
.L_overlay_start_0:
0x88: {  	s2 =	sld [smem:$0x3FD9]  }
0x89: {  	s3 =	sld [smem:$0x3FFE];
	_ =	sdelay $0x1  }
0x8a: {  	s1 =	srdreg.scid  }
0x8b: {  	s0 =	sand.u32 $0x1, s1  }
0x8c: {  	s17 =	sshll.u32 s0, $0xA;
	s2 =	sadd.s32 s3, s2  }
0x8d: {  	s2 =	sadd.s32 s2, s17  }
0x8e: {  	[smem:$0x3FC5] =	sst s2  }
0x8f: {  	_ = 	snop  }
0x90: {  	s2 =	sld [smem:$0x3FD0];
	(tm) =	ssettm $0x1  }
0x91: {  	s18 =	sld [smem:$0x3FFB];
	_ =	sdelay $0x3  }
0x92: {  	_ =	strace s18  }
0x93: {  	s3 =	sld [smem:$0x3FFC];
	_ =	sdelay $0x3  }
0x94: {  	_ =	strace s3  }
0x95: {  	s3 =	sld [smem:$0x3FFD];
	_ =	sdelay $0x3  }
0x96: {  	_ =	strace s3  }
0x97: {  	_ =	strace $0x8FFFFFFF  }
0x98: {  	s19 =	sld [smem:$0x3FDB];
	_ =	sdelay $0x1  }
0x99: {  	s4 =	simm.s32 $_scs_section_size  }
0x9a: {  	s5 =	simm.s32 $_size__tile_overlayer_lowered;
	s6 =	simm.s32 $_tile_overlayer_lowered  }
0x9b: {  	s22 =	simm.s32 $0x1BFF;
	s21 =	sshll.u32 s6, $0x1;
	s3 =	sadd.s32 s4, s19  }
0x9c: {  	s7 =	simm.s32 $0x0;
	s20 =	sshll.u32 s5, $0x1;
	s5 =	sadd.s32 s21, s3  }
0x9d: {  	[timem:s7], [sflag:s22] =	dma.local [hbm:s5], s20  }
0x9e: {  	_ =	swait.ge [sflag:s22], s20  }
0x9f: {  	s4 =	ssub.s32 $0x0, s20;
	[sflag:s22] =	ssyncset.done $0x0  }
0xa0: {  	[sflag:s22] =	ssyncadd.s32 s4;
	_ =	sdelay $0x1  }
0xa1: {  	s23 =	simm.s32 $0x1B8B  }
0xa2: {  	_ =	swait.ge [sflag:s23], $0x1  }
0xa3: {  	[sflag:s23] =	ssyncset.done $0x0  }
0xa4: {  	s25 =	simm.s32 $0x1B8E;
	s24 =	sld [smem:$0x3FFE];
	[sflag:s23] =	ssyncadd.s32 $0xFFFFFFFF  }
0xa5: {  	s26 =	simm.s32 $execute0_lowered;
	[smem:$0x3FD2] =	sst s25  }
0xa6: {  	s5 =	sshll.u32 s26, $0x1;
	_ =	strace $0x80000046;
	[dreg:$0x1] =	wrdreg $0xFFFFFFFF  }
0xa7: {  	s28 =	simm.s32 $_size_execute0_lowered;
	s3 =	sadd.s32 s3, s5;
	[dreg:$0x0] =	wrdreg $0x0  }
0xa8: {  	s5 =	sshll.u32 s28, $0x1;
	[dreg:$0x2] =	wrdreg s3  }
0xa9: {  	[dreg:$0x3] =	wrdreg s5  }
0xaa: {  	[dreg:$0x4] =	wrdreg $0xC0  }
0xab: {  	_ =	task [dreg:s7], $0x5FFFF  }
0xac: {  	[dreg:$0x1] =	wrdreg $0xFFFFFFFF  }
0xad: {  	[dreg:$0x0] =	wrdreg $0x60  }
0xae: {  	[dreg:$0x2] =	wrdreg s24  }
0xaf: {  	[dreg:$0x3] =	wrdreg s2  }
0xb0: {  	[dreg:$0x4] =	wrdreg $0x9  }
0xb1: {  	_ =	task.clear_ibuf [dreg:s7], $0x5FFFF;
	_ =	strace $0x90000046  }
0xb2: {  	s29 =	simm.s32 $0x9;
	_ =	strace $0x80000048  }
0xb3: {  	_ =	swait.ge [sflag:s29], $0x1  }
0xb4: {  	[sflag:s29] =	ssyncadd.s32 $0xFFFFFFFF  }
0xb5: {  	_ =	strace $0x90000048  }
0xb6: {  	_ =	sfence  }
0xb7: {  	s30 =	sld [smem:$0x0];
	_ =	sdelay $0x2  }
0xb8: {  	s31 =	sshll.u32 s1, $0xD;
	s1 =	sshrl.u32 s1, $0x2  }
0xb9: {  	s3 =	sand.u32 $0x4000, s31;
	s1 =	sadd.s32 s1, s30  }
0xba: {  	s0 =	sor.u32 s3, s0;
	s1 =	sshll.u32 s1, $0x11  }
0xbb: {  	s0 =	sor.u32 s1, s0  }
0xbc: {  	s0 =	sadd.s32 $0x8F2B, s0  }
0xbd: {  	[sflag:s0] =	ssyncadd.remote.s32 $0x1  }
0xbe: {  	_ =	sfence.sel $0xFFFF  }
0xbf: {  	[dreg:$0x0] =	wrdreg $0xFFFFFFFF;
	(pc) =	sbr.abs _section_cstart, $3  }
0xc0: {  	[dreg:$0x1] =	wrdreg $0xFFFFFFFF  }
0xc1: {  	_ =	task.clear_ibuf [dreg:s7], $0x2FFFF;
	_ =	strace $0x9FFFFFFF  }
0xc2: {  	(tm) =	ssettm $0x7FFFFFFF  }
0xc3: {  	_ =	shalt  }
tec
execute0_lowered:
.L_overlay_start_1:
0x0: {  	(tag) =	ssettag $0x1  }
0x1: {  	s0 =	stileid.u32  }
0x2: {  	s1 =	srdreg.scid;
	s4 =	sand.u32 $0x1, s0  }
0x3: {  	s6 =	sand.u32 $0x1, s1;
	s7 =	smul.u32 $0x21000, s4  }
0x4: {  	s5 =	rddreg [dreg:$0x0];
	s8 =	sshrl.u32 s0, $0x1;
	s9 =	smul.u32 $0x10800, s6  }
0x5: {  	s2 =	rddreg [dreg:$0x1];
	s3 =	simm.s32 $0x0;
	s10 =	smul.u32 $0xB0, s8  }
0x6: {  	s14 =	simm.s32 $0x0;
	s1 =	rddreg [dreg:$0x2];
	s24 =	smul.u32 $0x16, s8  }
0x7: {  	[smem:$0x7FF] =	sst s3;
	s23 =	sshll.u32 s8, $0x9;
	s8 =	smul.u32 $0xC0000, s8  }
0x8: {  	s12 =	sshll.u32 s0, $0x1;
	_ =	strace $0x80000047;
	s29 =	smul.u32 $0x60000, s4  }
0x9: {  	s25 =	ssub.s32 $0x2, s6;
	s28 =	sand.u32 $0x2, s12;
	s30 =	smul.u32 $0x30000, s6  }
0xa: {  	s12 =	simm.s32 $0x1;
	s26 =	sshrl.u32 s25, $0x1;
	s13 =	sor.u32 s6, s28  }
0xb: {  	s7 =	sadd.s32 s9, s7;
	s9 =	sadd.s32 s23, s5;
	s31 =	sadd.s32 s29, s8  }
0xc: {  	p0 =	sne.s32 s13, $0x0;
	s13 =	simm.s32 $0x2;
	s7 =	sor.u32 s10, s7  }
0xd: {  	s4 =	sadd.s32 $0x181200, s9;
	s9 =	simm.s32 $0x3;
	s7 =	sshrl.u32 s7, $0x3  }
0xe: {  	s11 =	sadd.s32 s7, s5;
	s5 =	sadd.s32 s24, s5;
	s7 =	ssub.s32 s25, s26  }
0xf: {  	s10 =	simm.s32 $0x1000;
	s5 =	sadd.s32 $0x9600, s5;
	s6 =	smax.u32 s7, $0x1  }
0x10: {  	v0 =	vimm.s32 $0x0;
	v1 =	vlaneseq.u32;
	vm0 =	vmmov $0x7;
	s7 =	sadd.s32 s30, s31;
	s8 =	sadd.s32 $0x1200, s11;
	s11 =	simm.s32 $0x80  }
.LBB2_1:
0x11: {  	[tilespmem:s3], [sflag:$0x3] =	stream.linear.gather [hbm4b:s4+s3], $0x1000, $0x38;
	[tilespmem:$0x5300] =	vst v63  }
0x12: {  	_ =	swait.ge [sflag:s9], $0x1000  }
0x13: {  	[sflag:s9] =	ssyncset.done $0x0  }
0x14: {  	[sflag:s9] =	ssyncadd.s32 $0xFFFFF000  }
0x15: {  	[tilespmem:$0x1000] =	vst v0  }
0x16: {  	[tilespmem:$0x1010] =	vst v0  }
0x17: {  	[tilespmem:$0x1020] =	vst v0  }
0x18: {  	[tilespmem:$0x1030] =	vst v0  }
0x19: {  	[tilespmem:$0x1040] =	vst v0  }
0x1a: {  	[tilespmem:$0x1050] =	vst v0  }
0x1b: {  	[tilespmem:$0x1060] =	vst v0  }
0x1c: {  	[tilespmem:$0x1070] =	vst v0  }
0x1d: {  	[tilespmem:$0x1080] =	vst v0  }
0x1e: {  	[tilespmem:$0x1090] =	vst v0  }
0x1f: {  	[tilespmem:$0x10A0] =	vst v0  }
0x20: {  	[tilespmem:$0x10B0] =	vst v0  }
0x21: {  	s16 =	simm.s32 $0x10;
	s15 =	simm.s32 $0x0;
	s17 =	simm.s32 $0x0;
	v2 =	vld [tilespmem:s3+$0x0]  }
.LBB2_2:
0x22: {  	p1 =	sne.s32 s16, $0xFF0;
	_ =	sdelay $0x3  }
0x23: {  	vm1 =	vlt.s32 v2, $0x4000;
	_ =	sdelay $0x2  }
.Ltmp0:
0x24: {  	(pc) =	sbr.rel @p1 .LBB2_2-.Ltmp0, $4  }
0x25: {  	_ = 	snop  }
0x26: {  	v3 =	vor.u32 s15, v1;
	s15 =	smov.u32 s16  }
0x27: {  	s17 =	sadd.s32 $0x10, s17;
	[tilespmem:v2+s10+$0x0] =	vst.idx.msk vm1, v3  }
0x28: {  	s16 =	sadd.s32 $0x10, s16;
	v2 =	vld [tilespmem:s17+$0x0]  }
0x29: {  	_ =	sdelay $0x3  }
0x2a: {  	vm1 =	vlt.s32 v2, $0x4000;
	_ =	sdelay $0x4  }
0x2b: {  	v3 =	vor.u32 s15, v1  }
0x2c: {  	s15 =	simm.s32 @!p0 $0x0;
	s16 =	simm.s32 @!p0 $0x1000;
	[tilespmem:v2+s10+$0x0] =	vst.idx.msk vm1, v3  }
0x2d: {  	[hbm4b:s5+s15] =	stream.linear.scatter @!p0 [tilespmem:s16], [sflag:$0x3], $0xB0, $0x38;
	[tilespmem:$0x5300] =	vst v63  }
0x2e: {  	s15 =	simm.s32 @!p0 $0x3  }
0x2f: {  	_ =	swait.ge @!p0 [sflag:s15], $0xB0  }
0x30: {  	[sflag:s15] =	ssyncset.done @!p0 $0x0  }
0x31: {  	[sflag:s15] =	ssyncadd.s32 @!p0 $0xFFFFFF50  }
0x32: {  	v2 =	vld [tilespmem:$0x1000];
	_ =	sdelay $0x3  }
0x33: {  	s31 =	sadd.s32 $0x0, s7  }
0x34: {  	s16 =	simm.s32 $0x1150;
	v2 =	vadd.s32 s31, v2  }
0x35: {  	[tilespmem:s16+$0xFFFFFFB0] =	vst v2  }
0x36: {  	v2 =	vld [tilespmem:$0x1010];
	_ =	sdelay $0x4  }
0x37: {  	v2 =	vadd.s32 s31, v2  }
0x38: {  	[tilespmem:s16+$0xFFFFFFC0] =	vst v2  }
0x39: {  	v2 =	vld [tilespmem:$0x1020];
	_ =	sdelay $0x4  }
0x3a: {  	v2 =	vadd.s32 s31, v2  }
0x3b: {  	[tilespmem:s16+$0xFFFFFFD0] =	vst v2  }
0x3c: {  	v2 =	vld [tilespmem:$0x1030];
	_ =	sdelay $0x4  }
0x3d: {  	v2 =	vadd.s32 s31, v2  }
0x3e: {  	[tilespmem:s16+$0xFFFFFFE0] =	vst v2  }
0x3f: {  	v2 =	vld [tilespmem:$0x1040];
	_ =	sdelay $0x4  }
0x40: {  	v2 =	vadd.s32 s31, v2  }
0x41: {  	[tilespmem:s16+$0xFFFFFFF0] =	vst v2  }
0x42: {  	v2 =	vld [tilespmem:$0x1050];
	_ =	sdelay $0x4  }
0x43: {  	v2 =	vadd.s32 s31, v2  }
0x44: {  	[tilespmem:s16+$0x0] =	vst v2  }
0x45: {  	v2 =	vld [tilespmem:$0x1060];
	_ =	sdelay $0x4  }
0x46: {  	v2 =	vadd.s32 s31, v2  }
0x47: {  	[tilespmem:s16+$0x10] =	vst v2  }
0x48: {  	v2 =	vld [tilespmem:$0x1070];
	_ =	sdelay $0x4  }
0x49: {  	v2 =	vadd.s32 s31, v2  }
0x4a: {  	[tilespmem:s16+$0x20] =	vst v2  }
0x4b: {  	v2 =	vld [tilespmem:$0x1080];
	_ =	sdelay $0x4  }
0x4c: {  	v2 =	vadd.s32 s31, v2  }
0x4d: {  	[tilespmem:s16+$0x30] =	vst v2  }
0x4e: {  	v2 =	vld [tilespmem:$0x1090];
	_ =	sdelay $0x4  }
0x4f: {  	v2 =	vadd.s32 s31, v2  }
0x50: {  	[tilespmem:s16+$0x40] =	vst v2  }
0x51: {  	v2 =	vld [tilespmem:$0x10A0];
	_ =	sdelay $0x4  }
0x52: {  	v2 =	vadd.s32 s31, v2  }
0x53: {  	[tilespmem:s16+$0x50] =	vst v2  }
0x54: {  	s17 =	simm.s32 $0x1000;
	s18 =	simm.s32 $0x2000;
	s15 =	simm.s32 $0x0;
	v2 =	vld [tilespmem:$0x1000]  }
.LBB2_4:
0x55: {  	p1 =	sne.s32 s18, $0x2F000;
	_ =	sdelay $0x2  }
0x56: {  	s19 =	sadd.s32 s17, s7;
	s17 =	smov.u32 s18  }
0x57: {  	s16 =	sadd.s32 $0xB0, s16;
	v2 =	vadd.s32 s19, v2  }
0x58: {  	[tilespmem:s16+$0xFFFFFFB0] =	vst v2  }
0x59: {  	v2 =	vld [tilespmem:$0x1010];
	_ =	sdelay $0x4  }
0x5a: {  	v2 =	vadd.s32 s19, v2  }
0x5b: {  	[tilespmem:s16+$0xFFFFFFC0] =	vst v2  }
0x5c: {  	v2 =	vld [tilespmem:$0x1020];
	_ =	sdelay $0x4  }
0x5d: {  	v2 =	vadd.s32 s19, v2  }
0x5e: {  	[tilespmem:s16+$0xFFFFFFD0] =	vst v2  }
0x5f: {  	v2 =	vld [tilespmem:$0x1030];
	_ =	sdelay $0x4  }
0x60: {  	v2 =	vadd.s32 s19, v2  }
0x61: {  	[tilespmem:s16+$0xFFFFFFE0] =	vst v2  }
0x62: {  	v2 =	vld [tilespmem:$0x1040];
	_ =	sdelay $0x4  }
0x63: {  	v2 =	vadd.s32 s19, v2  }
0x64: {  	[tilespmem:s16+$0xFFFFFFF0] =	vst v2  }
0x65: {  	v2 =	vld [tilespmem:$0x1050];
	_ =	sdelay $0x4  }
0x66: {  	v2 =	vadd.s32 s19, v2  }
0x67: {  	[tilespmem:s16+$0x0] =	vst v2  }
0x68: {  	v2 =	vld [tilespmem:$0x1060];
	_ =	sdelay $0x4  }
0x69: {  	v2 =	vadd.s32 s19, v2  }
0x6a: {  	[tilespmem:s16+$0x10] =	vst v2  }
0x6b: {  	v2 =	vld [tilespmem:$0x1070];
	_ =	sdelay $0x4  }
0x6c: {  	v2 =	vadd.s32 s19, v2  }
0x6d: {  	[tilespmem:s16+$0x20] =	vst v2  }
0x6e: {  	v2 =	vld [tilespmem:$0x1080];
	_ =	sdelay $0x4  }
0x6f: {  	v2 =	vadd.s32 s19, v2  }
0x70: {  	[tilespmem:s16+$0x30] =	vst v2  }
0x71: {  	v2 =	vld [tilespmem:$0x1090];
	_ =	sdelay $0x4  }
0x72: {  	v2 =	vadd.s32 s19, v2  }
0x73: {  	[tilespmem:s16+$0x40] =	vst v2  }
0x74: {  	v2 =	vld [tilespmem:$0x10A0];
	_ =	sdelay $0x2  }
.Ltmp1:
0x75: {  	(pc) =	sbr.rel @p1 .LBB2_4-.Ltmp1, $4  }
0x76: {  	_ = 	snop  }
0x77: {  	v2 =	vadd.s32 s19, v2  }
0x78: {  	[tilespmem:s16+$0x50] =	vst v2  }
0x79: {  	s18 =	sadd.s32 $0x1000, s18;
	v2 =	vld [tilespmem:$0x1000]  }
0x7a: {  	_ =	sdelay $0x2  }
0x7b: {  	s17 =	sadd.s32 s17, s7  }
0x7c: {  	s16 =	sadd.s32 $0xB0, s16;
	v2 =	vadd.s32 s17, v2  }
0x7d: {  	[tilespmem:s16+$0xFFFFFFB0] =	vst v2  }
0x7e: {  	v2 =	vld [tilespmem:$0x1010];
	_ =	sdelay $0x4  }
0x7f: {  	v2 =	vadd.s32 s17, v2  }
0x80: {  	[tilespmem:s16+$0xFFFFFFC0] =	vst v2  }
0x81: {  	v2 =	vld [tilespmem:$0x1020];
	_ =	sdelay $0x4  }
0x82: {  	v2 =	vadd.s32 s17, v2  }
0x83: {  	[tilespmem:s16+$0xFFFFFFD0] =	vst v2  }
0x84: {  	v2 =	vld [tilespmem:$0x1030];
	_ =	sdelay $0x4  }
0x85: {  	v2 =	vadd.s32 s17, v2  }
0x86: {  	[tilespmem:s16+$0xFFFFFFE0] =	vst v2  }
0x87: {  	v2 =	vld [tilespmem:$0x1040];
	_ =	sdelay $0x4  }
0x88: {  	v2 =	vadd.s32 s17, v2  }
0x89: {  	[tilespmem:s16+$0xFFFFFFF0] =	vst v2  }
0x8a: {  	v2 =	vld [tilespmem:$0x1050];
	_ =	sdelay $0x4  }
0x8b: {  	v2 =	vadd.s32 s17, v2  }
0x8c: {  	[tilespmem:s16+$0x0] =	vst v2  }
0x8d: {  	v2 =	vld [tilespmem:$0x1060];
	_ =	sdelay $0x4  }
0x8e: {  	v2 =	vadd.s32 s17, v2  }
0x8f: {  	[tilespmem:s16+$0x10] =	vst v2  }
0x90: {  	v2 =	vld [tilespmem:$0x1070];
	_ =	sdelay $0x4  }
0x91: {  	v2 =	vadd.s32 s17, v2  }
0x92: {  	[tilespmem:s16+$0x20] =	vst v2  }
0x93: {  	v2 =	vld [tilespmem:$0x1080];
	_ =	sdelay $0x4  }
0x94: {  	v2 =	vadd.s32 s17, v2  }
0x95: {  	[tilespmem:s16+$0x30] =	vst v2  }
0x96: {  	v2 =	vld [tilespmem:$0x1090];
	_ =	sdelay $0x4  }
0x97: {  	v2 =	vadd.s32 s17, v2  }
0x98: {  	[tilespmem:s16+$0x40] =	vst v2  }
0x99: {  	v2 =	vld [tilespmem:$0x10A0];
	_ =	sdelay $0x4  }
0x9a: {  	v2 =	vadd.s32 s17, v2  }
0x9b: {  	[tilespmem:s16+$0x50] =	vst v2  }
.LBB2_6:
0x9c: {  	p1 =	sne.s32 s15, $0x8200  }
.Ltmp2:
0x9d: {  	_ = 	snop;
	(pc) =	sbr.rel @p1 .LBB2_6-.Ltmp2, $4  }
0x9e: {  	_ = 	snop  }
0x9f: {  	s16 =	sshra.s32 s15, $0x2  }
0xa0: {  	s15 =	sadd.s32 $0x200, s15;
	s17 =	sadd.s32 $0x3200, s16;
	s16 =	sadd.s32 $0x1100, s16  }
0xa1: {  	[tilespmem:s17], [sflag:$0x1] =	stream.indirect.gather [hbm4b:s2+s11], $0x1, s16, s11, $0xb8;
	[tilespmem:$0x5300] =	vst v63  }
0xa2: {  	s15 =	simm.s32 $0x42  }
.LBB2_8:
0xa3: {  	p1 =	sne.s32 s15, $0x1  }
.Ltmp3:
0xa4: {  	_ = 	snop;
	(pc) =	sbr.rel @p1 .LBB2_8-.Ltmp3, $4  }
0xa5: {  	_ = 	snop  }
0xa6: {  	_ =	swait.ge [sflag:s12], $0x80  }
0xa7: {  	[sflag:s12] =	ssyncset.done $0x0  }
0xa8: {  	s15 =	sadd.s32 $0xFFFFFFFF, s15;
	[sflag:s12] =	ssyncadd.s32 $0xFFFFFF80  }
0xa9: {  	s15 =	simm.s32 $0x3200  }
0xaa: {  	s16 =	simm.s32 $0x0;
	s17 =	simm.s32 $0xB0;
	s18 =	simm.s32 $0x3200;
	v2 =	vld [tilespmem:s15+$0xA0]  }
.LBB2_10:
0xab: {  	p1 =	sne.s32 s17, $0x2050;
	_ =	sdelay $0x1  }
.Ltmp4:
0xac: {  	(pc) =	sbr.rel @p1 .LBB2_10-.Ltmp4, $4  }
0xad: {  	_ = 	snop  }
0xae: {  	s19 =	sadd.s32 s16, s8;
	s15 =	sadd.s32 $0xB0, s15;
	s16 =	smov.u32 s17;
	v2 =	vnsel vm0, $0x0, v2  }
0xaf: {  	[tilespmem:s18+$0xA0] =	vst v2;
	[hbm4b:s19+s3] =	stream.linear.scatter [tilespmem:s18], [sflag:$0x2], $0xB0, $0x38  }
0xb0: {  	s17 =	sadd.s32 $0xB0, s17;
	s18 =	smov.u32 s15;
	v2 =	vld [tilespmem:s15+$0xA0]  }
0xb1: {  	_ =	sdelay $0x3  }
0xb2: {  	v2 =	vnsel vm0, $0x0, v2  }
0xb3: {  	s15 =	sadd.s32 s16, s8;
	[tilespmem:s18+$0xA0] =	vst v2  }
0xb4: {  	[hbm4b:s15+s3] =	stream.linear.scatter [tilespmem:s18], [sflag:$0x2], $0xB0, $0x38;
	[tilespmem:$0x5300] =	vst v63  }
0xb5: {  	_ =	swait.ge [sflag:s13], $0xB0  }
0xb6: {  	s15 =	simm.s32 $0x2F;
	[sflag:s13] =	ssyncset.done $0x0  }
.LBB2_12:
0xb7: {  	p1 =	sne.s32 s15, $0x1;
	s15 =	sadd.s32 $0xFFFFFFFF, s15;
	[sflag:s13] =	ssyncadd.s32 $0xFFFFFF50  }
.Ltmp5:
0xb8: {  	(pc) =	sbr.rel @p1 .LBB2_12-.Ltmp5, $3  }
0xb9: {  	_ =	sdelay $0x1  }
0xba: {  	_ =	swait.ge [sflag:s13], $0xB0  }
0xbb: {  	[sflag:s13] =	ssyncset.done $0x0  }
0xbc: {  	s14 =	sadd.s32 $0x1, s14  }
0xbd: {  	p1 =	sne.s32 s14, s6  }
.Ltmp6:
0xbe: {  	_ = 	snop;
	(pc) =	sbr.rel @p1 .LBB2_1-.Ltmp6, $2  }
0xbf: {  	_ =	sdelay $0x2  }
0xc0: {  	[sflag:s13] =	ssyncadd.s32 $0xFFFFFF50  }
0xc1: {  	_ =	sfence.sel $0x180000  }
0xc2: {  	[bflag:$0x0] =	sbarrier.arrive $0xFFFF  }
0xc3: {  	p0 =	sne.s32 s0, $0x0;
	_ =	strace $0x90000047  }
0xc4: {  	s0 =	sadd.s32 @!p0 $0x100000, s1;
	[bflag:$0x2] =	sbarrier.arrive $0xFFFF  }
0xc5: {  	[sflag:s0] =	ssyncadd.tile.s32 @!p0 $0x1;
	_ =	shalt  }
.Lfunc_end2:
_tile_overlayer_lowered:
.L_overlay_start_2:
0xc6: {  	(tag) =	ssettag $0x2  }
0xc7: {  	s0 =	rddreg [dreg:$0x0];
	s2 =	stileid.u32  }
0xc8: {  	s1 =	rddreg [dreg:$0x1];
	p0 =	sne.s32 s2, $0x0  }
0xc9: {  	s3 =	rddreg [dreg:$0x2];
	[bflag:$0x3] =	sbarrier.arrive $0xFFFF;
	s2 =	simm.s32 @!p0 $0x1C03  }
0xca: {  	[timem:s3], [sflag:s2] =	dma.local @!p0 [hbm:s0], s1  }
0xcb: {  	s0 =	simm.s32 @!p0 $0x3  }
0xcc: {  	_ =	swait.ge @!p0 [sflag:s0], s1  }
0xcd: {  	s1 =	ssub.s32 @!p0 $0x0, s1;
	[sflag:s0] =	ssyncset.done @!p0 $0x0  }
0xce: {  	[sflag:s0] =	ssyncadd.s32 @!p0 s1  }
0xcf: {  	[bflag:$0x3] =	sbarrier.arrive $0xFFFF  }
0xd0: {  	_ =	shalt  }

// kernel: kernel.9.cloned.1.call-start
scs
__scs_entry_jumppad:
0x0: {  	(pc) =	sbr.rel $0x88, $3  }
0x1: {  	(tag) =	ssettag $0x0;
	lr =	simm.s32 $0x1  }
0x2: {  	[smem:$0x3F9E] =	sst lr;
	_ =	strace $0xD0000000  }
0x3: {  	_ = 	snop  }
0x4: {  	_ = 	snop  }
0x5: {  	_ = 	snop  }
0x6: {  	_ = 	snop  }
0x7: {  	_ = 	snop  }
__scs_overlays_trampoline_lowered:
0x8: {  	[smem:$0x3FAD] =	sst s0  }
0x9: {  	[smem:$0x3FAE] =	sst s1  }
0xa: {  	[smem:$0x3FAF] =	sst s2  }
0xb: {  	[smem:$0x3FB0] =	sst s3  }
0xc: {  	[smem:$0x3FB1] =	sst s4  }
0xd: {  	[smem:$0x3FB2] =	sst s5  }
0xe: {  	[smem:$0x3FB3] =	sst s6  }
0xf: {  	[smem:$0x3FB4] =	sst s7  }
0x10: {  	[smem:$0x3FB5] =	sst s8  }
0x11: {  	[smem:$0x3FB6] =	sst s9;
	s0 =	simm.s32 @!p0 $0x0  }
0x12: {  	s1 =	sld [smem:$0x3F9C];
	s0 =	simm.s32 @p0 $0x1  }
0x13: {  	[smem:$0x3FB7] =	sst s0;
	s0 =	simm.s32 @!p1 $0x0  }
0x14: {  	s2 =	sld [smem:$0x3F9B];
	s0 =	simm.s32 @p1 $0x1  }
0x15: {  	[smem:$0x3FB8] =	sst s0;
	s0 =	simm.s32 @!p2 $0x0  }
0x16: {  	s3 =	sld [smem:$0x3FDB];
	s0 =	simm.s32 @p2 $0x1  }
0x17: {  	s4 =	simm.s32 $0x1BF5;
	[smem:$0x3FBA] =	sst s0  }
0x18: {  	s0 =	sld [smem:$0x3F9D];
	_ =	swait.ge [sflag:s4], $0x0  }
0x19: {  	s7 =	sld [smem:$0x3F9E]  }
0x1a: {  	s8 =	sadd.s32 $0xFFFFE003, lr  }
0x1b: {  	s9 =	sadd.s32 $0xFFFFFEF7, lr;
	s5 =	simm.s32 $0xFFFFFFFF;
	p2 =	slt.u32 s8, $0xFFFFF086  }
0x1c: {  	p1 =	slt.u32 s9, $0xF7A;
	s5 =	simm.s32 @!p2 $0x0  }
0x1d: {  	s5 =	simm.s32 @p1 $0x1;
	p0 =	seq.s32 s7, s2  }
0x1e: {  	s7 =	smul.u32 @!p0 $0xF7A, s2;
	p2 =	seq.s32 @!p0 s5, $0x0  }
0x1f: {  	s9 =	smul.u32 $0xF7A, s1;
	s8 =	simm.s32 @!p0 $0x1BF5;
	p2 =	por !p2, p0  }
0x20: {  	[sflag:s8] =	ssyncset.s32 @!p0 $0xFFFFF086;
	s6 =	sadd.s32 @!p0 s3, s7;
	s7 =	simm.s32 @!p0 $0x108  }
0x21: {  	s3 =	sadd.s32 s3, s9;
	s6 =	sadd.s32 @!p0 $0x88, s6;
	s7 =	simm.s32 @p2 $0x1082  }
0x22: {  	[simem:s7], [sflag:s8] =	dma.local @!p0 [hbm:s6], $0xF7A  }
0x23: {  	s9 =	sor.u32 $0xD0000000, s2;
	s6 =	simm.s32 $0x108;
	_ =	swait.ge @!p0 [sflag:s8], $0x0  }
0x24: {  	s3 =	sadd.s32 $0x88, s3;
	s6 =	simm.s32 @!p1 $0x1082;
	[sflag:s4] =	ssyncset.s32 $0xFFFFF086  }
0x25: {  	[simem:s6], [sflag:s4] =	dma.local [hbm:s3], $0xF7A  }
0x26: {  	[smem:$0x3F9E] =	sst s1;
	(tag) =	ssettag s2;
	_ =	strace s9  }
0x27: {  	s1 =	sld [smem:$0x3FAE]  }
0x28: {  	s2 =	sld [smem:$0x3FAF]  }
0x29: {  	s4 =	sld [smem:$0x3FB1]  }
0x2a: {  	p0 =	seq.s32 s5, $0x0;
	s5 =	sld [smem:$0x3FB2]  }
0x2b: {  	s6 =	sld [smem:$0x3FB3]  }
0x2c: {  	s7 =	sld [smem:$0x3FB4]  }
0x2d: {  	s3 =	simm.s32 $0x108;
	s8 =	sld [smem:$0x3FB5]  }
0x2e: {  	s3 =	simm.s32 @!p0 $0x1082;
	s9 =	sld [smem:$0x3FB6]  }
0x2f: {  	lr =	sadd.s32 s0, s3;
	s0 =	sld [smem:$0x3FAD]  }
0x30: {  	s3 =	sld [smem:$0x3FB0]  }
0x31: {  	[smem:$0x3FB9] =	sst s10  }
0x32: {  	s10 =	sld [smem:$0x3FB7];
	_ =	sdelay $0x3  }
0x33: {  	p0 =	seq.s32 s10, $0x1;
	s10 =	sld [smem:$0x3FB9];
	_ =	sdelay $0x3  }
0x34: {  	[smem:$0x3FB9] =	sst s10  }
0x35: {  	s10 =	sld [smem:$0x3FB8];
	_ =	sdelay $0x3  }
0x36: {  	p1 =	seq.s32 s10, $0x1;
	s10 =	sld [smem:$0x3FB9];
	_ =	sdelay $0x3  }
0x37: {  	[smem:$0x3FB9] =	sst s10  }
0x38: {  	s10 =	sld [smem:$0x3FBA]  }
0x39: {  	_ = 	snop;
	(pc) =	sbr.ind lr, $3  }
0x3a: {  	_ = 	snop  }
0x3b: {  	_ = 	snop  }
0x3c: {  	p2 =	seq.s32 s10, $0x1;
	s10 =	sld [smem:$0x3FB9]  }
0x3d: {  	_ =	shalt  }
0x3e: {  	_ =	shalt  }
0x3f: {  	_ =	shalt  }
0x40: {  	_ =	shalt  }
0x41: {  	_ =	shalt  }
0x42: {  	_ =	shalt  }
0x43: {  	_ =	shalt  }
0x44: {  	_ =	shalt  }
0x45: {  	_ =	shalt  }
0x46: {  	_ =	shalt  }
0x47: {  	_ =	shalt  }
0x48: {  	_ =	shalt  }
0x49: {  	_ =	shalt  }
0x4a: {  	_ =	shalt  }
0x4b: {  	_ =	shalt  }
0x4c: {  	_ =	shalt  }
0x4d: {  	_ =	shalt  }
0x4e: {  	_ =	shalt  }
0x4f: {  	_ =	shalt  }
0x50: {  	_ =	shalt  }
0x51: {  	_ =	shalt  }
0x52: {  	_ =	shalt  }
0x53: {  	_ =	shalt  }
0x54: {  	_ =	shalt  }
0x55: {  	_ =	shalt  }
0x56: {  	_ =	shalt  }
0x57: {  	_ =	shalt  }
0x58: {  	_ =	shalt  }
0x59: {  	_ =	shalt  }
0x5a: {  	_ =	shalt  }
0x5b: {  	_ =	shalt  }
0x5c: {  	_ =	shalt  }
0x5d: {  	_ =	shalt  }
0x5e: {  	_ =	shalt  }
0x5f: {  	_ =	shalt  }
0x60: {  	_ =	shalt  }
0x61: {  	_ =	shalt  }
0x62: {  	_ =	shalt  }
0x63: {  	_ =	shalt  }
0x64: {  	_ =	shalt  }
0x65: {  	_ =	shalt  }
0x66: {  	_ =	shalt  }
0x67: {  	_ =	shalt  }
0x68: {  	_ =	shalt  }
0x69: {  	_ =	shalt  }
0x6a: {  	_ =	shalt  }
0x6b: {  	_ =	shalt  }
0x6c: {  	_ =	shalt  }
0x6d: {  	_ =	shalt  }
0x6e: {  	_ =	shalt  }
0x6f: {  	_ =	shalt  }
0x70: {  	_ =	shalt  }
0x71: {  	_ =	shalt  }
0x72: {  	_ =	shalt  }
0x73: {  	_ =	shalt  }
0x74: {  	_ =	shalt  }
0x75: {  	_ =	shalt  }
0x76: {  	_ =	shalt  }
0x77: {  	_ =	shalt  }
0x78: {  	_ =	shalt  }
0x79: {  	_ =	shalt  }
0x7a: {  	_ =	shalt  }
0x7b: {  	_ =	shalt  }
0x7c: {  	_ =	shalt  }
0x7d: {  	_ =	shalt  }
0x7e: {  	_ =	shalt  }
0x7f: {  	_ =	shalt  }
0x80: {  	_ =	shalt  }
0x81: {  	_ =	shalt  }
0x82: {  	_ =	shalt  }
0x83: {  	_ =	shalt  }
0x84: {  	_ =	shalt  }
0x85: {  	_ =	shalt  }
0x86: {  	_ =	shalt  }
0x87: {  	_ =	shalt  }
.Lfunc_end0:
.L_simem_size_0:
called_computation.1_lowered:
.L_overlay_start_0:
0x88: {  	s2 =	sld [smem:$0x3FD9]  }
0x89: {  	s3 =	sld [smem:$0x3FFE];
	_ =	sdelay $0x1  }
0x8a: {  	s1 =	srdreg.scid  }
0x8b: {  	s0 =	sand.u32 $0x1, s1  }
0x8c: {  	s17 =	sshll.u32 s0, $0xA;
	s2 =	sadd.s32 s3, s2  }
0x8d: {  	s2 =	sadd.s32 s2, s17  }
0x8e: {  	[smem:$0x3FC5] =	sst s2  }
0x8f: {  	_ = 	snop  }
0x90: {  	s2 =	sld [smem:$0x3FD0];
	(tm) =	ssettm $0x1  }
0x91: {  	s18 =	sld [smem:$0x3FFB];
	_ =	sdelay $0x3  }
0x92: {  	_ =	strace s18  }
0x93: {  	s3 =	sld [smem:$0x3FFC];
	_ =	sdelay $0x3  }
0x94: {  	_ =	strace s3  }
0x95: {  	s3 =	sld [smem:$0x3FFD];
	_ =	sdelay $0x3  }
0x96: {  	_ =	strace s3  }
0x97: {  	_ =	strace $0x8FFFFFFF  }
0x98: {  	s19 =	sld [smem:$0x3FDB];
	_ =	sdelay $0x1  }
0x99: {  	s4 =	simm.s32 $_scs_section_size  }
0x9a: {  	s5 =	simm.s32 $_size__tile_overlayer_lowered;
	s6 =	simm.s32 $_tile_overlayer_lowered  }
0x9b: {  	s22 =	simm.s32 $0x1BFF;
	s21 =	sshll.u32 s6, $0x1;
	s3 =	sadd.s32 s4, s19  }
0x9c: {  	s7 =	simm.s32 $0x0;
	s20 =	sshll.u32 s5, $0x1;
	s5 =	sadd.s32 s21, s3  }
0x9d: {  	[timem:s7], [sflag:s22] =	dma.local [hbm:s5], s20  }
0x9e: {  	_ =	swait.ge [sflag:s22], s20  }
0x9f: {  	s4 =	ssub.s32 $0x0, s20;
	[sflag:s22] =	ssyncset.done $0x0  }
0xa0: {  	[sflag:s22] =	ssyncadd.s32 s4;
	_ =	sdelay $0x1  }
0xa1: {  	s23 =	simm.s32 $0x1B8B  }
0xa2: {  	_ =	swait.ge [sflag:s23], $0x1  }
0xa3: {  	[sflag:s23] =	ssyncset.done $0x0  }
0xa4: {  	s25 =	simm.s32 $0x1B8E;
	s24 =	sld [smem:$0x3FFE];
	[sflag:s23] =	ssyncadd.s32 $0xFFFFFFFF  }
0xa5: {  	s26 =	simm.s32 $execute0_lowered;
	[smem:$0x3FD2] =	sst s25  }
0xa6: {  	s5 =	sshll.u32 s26, $0x1;
	_ =	strace $0x80000049;
	[dreg:$0x1] =	wrdreg $0xFFFFFFFF  }
0xa7: {  	s28 =	simm.s32 $_size_execute0_lowered;
	s3 =	sadd.s32 s3, s5;
	[dreg:$0x0] =	wrdreg $0x0  }
0xa8: {  	s5 =	sshll.u32 s28, $0x1;
	[dreg:$0x2] =	wrdreg s3  }
0xa9: {  	[dreg:$0x3] =	wrdreg s5  }
0xaa: {  	[dreg:$0x4] =	wrdreg $0xC0  }
0xab: {  	_ =	task [dreg:s7], $0x5FFFF  }
0xac: {  	[dreg:$0x1] =	wrdreg $0xFFFFFFFF  }
0xad: {  	[dreg:$0x0] =	wrdreg $0x60  }
0xae: {  	[dreg:$0x2] =	wrdreg s2  }
0xaf: {  	[dreg:$0x3] =	wrdreg s24  }
0xb0: {  	[dreg:$0x4] =	wrdreg $0x9  }
0xb1: {  	_ =	task.clear_ibuf [dreg:s7], $0x5FFFF;
	_ =	strace $0x90000049  }
0xb2: {  	s29 =	simm.s32 $0x9;
	_ =	strace $0x8000004B  }
0xb3: {  	_ =	swait.ge [sflag:s29], $0x1  }
0xb4: {  	[sflag:s29] =	ssyncadd.s32 $0xFFFFFFFF  }
0xb5: {  	_ =	strace $0x9000004B  }
0xb6: {  	_ =	sfence  }
0xb7: {  	s30 =	sld [smem:$0x0];
	_ =	sdelay $0x2  }
0xb8: {  	s31 =	sshll.u32 s1, $0xD;
	s1 =	sshrl.u32 s1, $0x2  }
0xb9: {  	s3 =	sand.u32 $0x4000, s31;
	s1 =	sadd.s32 s1, s30  }
0xba: {  	s0 =	sor.u32 s3, s0;
	s1 =	sshll.u32 s1, $0x11  }
0xbb: {  	s0 =	sor.u32 s1, s0  }
0xbc: {  	s0 =	sadd.s32 $0x8F2B, s0  }
0xbd: {  	[sflag:s0] =	ssyncadd.remote.s32 $0x1  }
0xbe: {  	_ =	sfence.sel $0xFFFF  }
0xbf: {  	[dreg:$0x0] =	wrdreg $0xFFFFFFFF;
	(pc) =	sbr.abs _section_cstart, $3  }
0xc0: {  	[dreg:$0x1] =	wrdreg $0xFFFFFFFF  }
0xc1: {  	_ =	task.clear_ibuf [dreg:s7], $0x2FFFF;
	_ =	strace $0x9FFFFFFF  }
0xc2: {  	(tm) =	ssettm $0x7FFFFFFF  }
0xc3: {  	_ =	shalt  }
tec
execute0_lowered:
.L_overlay_start_1:
0x0: {  	(tag) =	ssettag $0x1  }
0x1: {  	s0 =	stileid.u32  }
0x2: {  	s1 =	srdreg.scid;
	s7 =	rddreg [dreg:$0x1];
	s3 =	simm.s32 $0x0  }
0x3: {  	s12 =	simm.s32 $0x2200;
	s13 =	simm.s32 $0x3200;
	s14 =	simm.s32 $0x4  }
0x4: {  	s15 =	simm.s32 $0x5;
	s16 =	simm.s32 $0x6;
	s2 =	sshll.u32 s0, $0x1  }
0x5: {  	s5 =	sand.u32 $0x1, s1;
	s4 =	sshrl.u32 s0, $0x1;
	s28 =	sand.u32 $0x2, s2  }
0x6: {  	s17 =	simm.s32 $0x0;
	s8 =	smul.u32 $0xC0, s4;
	s1 =	sor.u32 s5, s28  }
0x7: {  	[smem:$0x7FF] =	sst s3;
	s29 =	ssub.s32 $0x2, s5;
	s6 =	smul.u32 $0x30, s1  }
0x8: {  	s2 =	rddreg [dreg:$0x0];
	s9 =	smul.u32 $0x16, s4;
	s30 =	sshrl.u32 s29, $0x1  }
0x9: {  	s5 =	sadd.s32 $0x9800, s7;
	s1 =	rddreg [dreg:$0x2];
	s4 =	sadd.s32 s8, s6  }
0xa: {  	v0 =	vlaneseq.u32;
	_ =	strace $0x8000004A;
	s6 =	smul.u32 $0x16, s4;
	s31 =	sshll.u32 s4, $0x9  }
0xb: {  	v0 =	vmul.u32 $0xFFFFFFFF, v0;
	s9 =	sadd.s32 s9, s7;
	s11 =	ssub.s32 s29, s30;
	s8 =	sadd.s32 s2, s31  }
0xc: {  	s10 =	sadd.s32 s6, s7;
	s6 =	sadd.s32 $0x9600, s9;
	s9 =	sadd.s32 $0x200, s8  }
0xd: {  	v0 =	vadd.s32 $0xA3, v0;
	s7 =	sadd.s32 $0x1200, s10;
	s10 =	smax.u32 s11, $0x1;
	s11 =	simm.s32 $0x7  }
.LBB2_1:
0xe: {  	[tilespmem:s3], [sflag:$0x7] =	stream.linear.gather [hbm4b:s6+s3], $0xB0, $0x38;
	[tilespmem:$0x5200] =	vst v63  }
0xf: {  	_ =	swait.ge [sflag:s11], $0xB0  }
0x10: {  	[sflag:s11] =	ssyncset.done $0x0  }
0x11: {  	s18 =	simm.s32 $0x100;
	[sflag:s11] =	ssyncadd.s32 $0xFFFFFF50  }
0x12: {  	[tilespmem:s18], [sflag:$0x7] =	stream.linear.gather [hbm4b:s7+s3], $0x2100, $0x38;
	[tilespmem:$0x5200] =	vst v63  }
0x13: {  	_ =	swait.ge [sflag:s11], $0x2100  }
0x14: {  	[sflag:s11] =	ssyncset.done $0x0  }
0x15: {  	[sflag:s11] =	ssyncadd.s32 $0xFFFFDF00  }
0x16: {  	[tilespmem:s12], [sflag:$0x1] =	stream.linear.gather [hbm4b:s8+s3], $0x1000, $0x38;
	[tilespmem:$0x5200] =	vst v63  }
0x17: {  	s19 =	simm.s32 $0x0  }
0x18: {  	[tilespmem:s13], [sflag:$0x2] =	stream.linear.gather [hbm4b:s9+s3], $0x1000, $0x38;
	[tilespmem:$0x5200] =	vst v63  }
.LBB2_2:
0x19: {  	s20 =	smul.u32 $0xAB, s19;
	_ =	sdelay $0x1  }
0x1a: {  	s20 =	sshrl.u32 s20, $0x9  }
0x1b: {  	s20 =	sand.u32 $0x7F, s20  }
0x1c: {  	s20 =	smul.u32 $0x3, s20;
	_ =	sdelay $0x1  }
0x1d: {  	s20 =	ssub.s32 s19, s20  }
0x1e: {  	s20 =	sand.u32 $0xFF, s20  }
0x1f: {  	s21 =	sadd.s32 $0x1, s20  }
0x20: {  	_ =	swait.ge [sflag:s21], $0x1000  }
0x21: {  	[sflag:s21] =	ssyncset.done $0x0  }
0x22: {  	s30 =	simm.s32 $0x0;
	[sflag:s21] =	ssyncadd.s32 $0xFFFFF000  }
0x23: {  	v1 =	vld [tilespmem:s30+$0x0]  }
0x24: {  	v2 =	vmov s30  }
0x25: {  	vm0 =	vlt.u32 v2, v0  }
0x26: {  	v2 =	vld [tilespmem:s18+$0x0];
	_ =	sdelay $0x2  }
0x27: {  	s31 =	sshll.u32 s20, $0xC  }
0x28: {  	s21 =	sadd.s32 $0x2200, s31  }
0x29: {  	s22 =	simm.s32 $0x10;
	[tilespmem:v1+s21+$0x0] =	vst.idx.msk vm0, v2  }
0x2a: {  	s24 =	simm.s32 $0x20;
	s23 =	smov.u32 s18;
	s25 =	simm.s32 $0x10;
	v1 =	vld [tilespmem:s22+$0x0]  }
.LBB2_3:
0x2b: {  	p0 =	sne.s32 s24, $0xA0;
	v2 =	vmov s22;
	s22 =	smov.u32 s24  }
0x2c: {  	s23 =	sadd.s32 $0x10, s23;
	vm0 =	vlt.u32 v2, v0  }
0x2d: {  	v2 =	vld [tilespmem:s23+$0x0];
	_ =	sdelay $0x1  }
.Ltmp0:
0x2e: {  	(pc) =	sbr.rel @p0 .LBB2_3-.Ltmp0, $3  }
0x2f: {  	_ =	sdelay $0x1  }
0x30: {  	s25 =	sadd.s32 $0x10, s25;
	[tilespmem:v1+s21+$0x0] =	vst.idx.msk vm0, v2  }
0x31: {  	s24 =	sadd.s32 $0x10, s24;
	v1 =	vld [tilespmem:s25+$0x0]  }
0x32: {  	_ = 	snop  }
0x33: {  	v2 =	vmov s22  }
0x34: {  	s31 =	sadd.s32 $0x10, s23;
	vm0 =	vlt.u32 v2, v0  }
0x35: {  	s22 =	sadd.s32 $0x2, s19;
	p0 =	sgt.u32 s19, $0x2D;
	v2 =	vld [tilespmem:s31+$0x0]  }
0x36: {  	s23 =	smul.u32 @!p0 $0xAB, s22  }
0x37: {  	s24 =	sadd.s32 s4, s19  }
0x38: {  	s24 =	sshll.u32 s24, $0x9;
	s23 =	sshrl.u32 @!p0 s23, $0x9  }
0x39: {  	s24 =	sand.u32 $0x1FFFFE00, s24;
	s23 =	sand.u32 @!p0 $0x7F, s23  }
0x3a: {  	s20 =	sadd.s32 $0x4, s20;
	s24 =	sadd.s32 s5, s24;
	s23 =	smul.u32 @!p0 $0x3, s23;
	[tilespmem:v1+s21+$0x0] =	vst.idx.msk vm0, v2  }
0x3b: {  	[hbm4b:s24+s3] =	stream.linear.scatter [tilespmem:s21], [sflag:s20], $0x1000, $0x38;
	[tilespmem:$0x5200] =	vst v63  }
0x3c: {  	p1 =	seq.s32 @!p0 s19, $0x0;
	s20 =	ssub.s32 @!p0 s22, s23  }
0x3d: {  	p1 =	por p1, p0;
	s22 =	sadd.s32 @!p0 s4, s22;
	s20 =	sand.u32 @!p0 $0xFF, s20  }
0x3e: {  	s19 =	sadd.s32 $0x1, s19;
	s22 =	sshll.u32 @!p0 s22, $0x9;
	s21 =	sadd.s32 @!p1 $0x4, s20  }
0x3f: {  	s23 =	sshll.u32 @!p0 s20, $0xC;
	s22 =	sand.u32 @!p0 $0x1FFFFE00, s22;
	_ =	swait.ge @!p1 [sflag:s21], $0x1000  }
0x40: {  	s20 =	sadd.s32 @!p0 $0x1, s20;
	s22 =	sadd.s32 @!p0 s2, s22;
	[sflag:s21] =	ssyncset.done @!p1 $0x0  }
0x41: {  	[sflag:s21] =	ssyncadd.s32 @!p1 $0xFFFFF000;
	s21 =	sadd.s32 @!p0 $0x2200, s23;
	s23 =	simm.s32 @!p0 $0x0  }
0x42: {  	[tilespmem:s21], [sflag:s20] =	stream.linear.gather @!p0 [hbm4b:s22+s23], $0x1000, $0x38;
	[tilespmem:$0x5200] =	vst v63  }
0x43: {  	p0 =	sne.s32 s19, $0x30  }
.Ltmp1:
0x44: {  	_ = 	snop;
	(pc) =	sbr.rel @p0 .LBB2_2-.Ltmp1, $2  }
0x45: {  	_ =	sdelay $0x2  }
0x46: {  	s18 =	sadd.s32 $0xB0, s18  }
0x47: {  	_ =	swait.ge [sflag:s14], $0x1000  }
0x48: {  	[sflag:s14] =	ssyncset.done $0x0  }
0x49: {  	s17 =	sadd.s32 $0x1, s17;
	[sflag:s14] =	ssyncadd.s32 $0xFFFFF000  }
0x4a: {  	p0 =	sne.s32 s17, s10;
	_ =	swait.ge [sflag:s15], $0x1000  }
.Ltmp2:
0x4b: {  	[sflag:s15] =	ssyncset.done $0x0;
	(pc) =	sbr.rel @p0 .LBB2_1-.Ltmp2, $4  }
0x4c: {  	[sflag:s15] =	ssyncadd.s32 $0xFFFFF000  }
0x4d: {  	_ =	swait.ge [sflag:s16], $0x1000  }
0x4e: {  	[sflag:s16] =	ssyncset.done $0x0  }
0x4f: {  	[sflag:s16] =	ssyncadd.s32 $0xFFFFF000  }
0x50: {  	_ =	sfence.sel $0x180000  }
0x51: {  	[bflag:$0x0] =	sbarrier.arrive $0xFFFF  }
0x52: {  	p0 =	sne.s32 s0, $0x0;
	_ =	strace $0x9000004A  }
0x53: {  	s0 =	sadd.s32 @!p0 $0x100000, s1;
	[bflag:$0x2] =	sbarrier.arrive $0xFFFF  }
0x54: {  	[sflag:s0] =	ssyncadd.tile.s32 @!p0 $0x1;
	_ =	shalt  }
.Lfunc_end2:
_tile_overlayer_lowered:
.L_overlay_start_2:
0x55: {  	(tag) =	ssettag $0x2  }
0x56: {  	s0 =	rddreg [dreg:$0x0];
	s2 =	stileid.u32  }
0x57: {  	s1 =	rddreg [dreg:$0x1];
	p0 =	sne.s32 s2, $0x0  }
0x58: {  	s3 =	rddreg [dreg:$0x2];
	[bflag:$0x3] =	sbarrier.arrive $0xFFFF;
	s2 =	simm.s32 @!p0 $0x1C07  }
0x59: {  	[timem:s3], [sflag:s2] =	dma.local @!p0 [hbm:s0], s1  }
0x5a: {  	s0 =	simm.s32 @!p0 $0x7  }
0x5b: {  	_ =	swait.ge @!p0 [sflag:s0], s1  }
0x5c: {  	s1 =	ssub.s32 @!p0 $0x0, s1;
	[sflag:s0] =	ssyncset.done @!p0 $0x0  }
0x5d: {  	[sflag:s0] =	ssyncadd.s32 @!p0 s1  }
0x5e: {  	[bflag:$0x3] =	sbarrier.arrive $0xFFFF  }
0x5f: {  	_ =	shalt  }

</sc_bundles>
